<compile_context>
chip_gen: v7x
topology: tpu7x:2x2x1
jax: 0.10.2.dev20260603
libtpu: 0.0.44.dev20260713+nightly
codegen_flags: <defaults>
</compile_context>

<pallas_src>
import functools

import jax
import jax.numpy as jnp
from jax import lax
from jax.experimental import pallas as pl
from jax.experimental.pallas import tpu as pltpu
from jax.experimental.pallas import tpu_sc as plsc

Q = 32
K = 1_000_000
D = 64
TG = 16384
NG = 62
KP = NG * TG
SB = 512
NSG = TG // SB
NBLK = KP // SB
TOPK = 16

NC = 2
NS = 16
L = 16


def _scores_body(q_ref, w_ref, br_ref, bc_ref, kt_ref, ts_ref, ac_ref,
                 sc_ref, bm_ref, qn_ref):
    @pl.when(pl.program_id(0) == 0)
    def _():
        qp = lax.dot_general(q_ref[...], w_ref[...], (((1,), (1,)), ((), ())),
                             preferred_element_type=jnp.float32)
        qp = qp + br_ref[...]
        qnorm = jnp.sqrt(jnp.sum(qp * qp, axis=1, keepdims=True))
        qn_ref[...] = qp / (qnorm + 1e-8)

    mpt = lax.dot_general(w_ref[...], kt_ref[...], (((1,), (0,)), ((), ())),
                          preferred_element_type=jnp.float32)
    mpt = mpt + bc_ref[...]
    norm = jnp.sqrt(jnp.sum(mpt * mpt, axis=0, keepdims=True))
    mnt = mpt / (norm + 1e-8)
    sim = lax.dot_general(qn_ref[...], mnt, (((1,), (0,)), ((), ())),
                          preferred_element_type=jnp.float32)
    ts = ts_ref[0, 0, :]
    ac = ac_ref[0, 0, :].astype(jnp.float32)
    scores = sim + (0.2 * ts)[None, :]
    scores = scores + jnp.minimum(ac * 0.05, 0.3)[None, :]
    col = pl.program_id(0) * TG + lax.broadcasted_iota(jnp.int32, (1, TG), 1)
    scores = jnp.where(col < K, scores, -jnp.inf)
    sc_ref[...] = scores
    cols = [jnp.max(scores[:, j * SB:(j + 1) * SB], axis=1, keepdims=True)
            for j in range(NSG)]
    bm_ref[:, 0, 0, :] = jnp.concatenate(cols, axis=1)


_scores_call = pl.pallas_call(
    _scores_body,
    grid=(NG,),
    in_specs=[
        pl.BlockSpec((Q, D), lambda i: (0, 0)),
        pl.BlockSpec((D, D), lambda i: (0, 0)),
        pl.BlockSpec((1, D), lambda i: (0, 0)),
        pl.BlockSpec((D, 1), lambda i: (0, 0)),
        pl.BlockSpec((D, TG), lambda i: (0, i)),
        pl.BlockSpec((1, 1, TG), lambda i: (i, 0, 0)),
        pl.BlockSpec((1, 1, TG), lambda i: (i, 0, 0)),
    ],
    out_specs=[
        pl.BlockSpec((Q, TG), lambda i: (0, i)),
        pl.BlockSpec((Q, 1, 1, NSG), lambda i: (0, i, 0, 0)),
    ],
    out_shape=[
        jax.ShapeDtypeStruct((Q, KP), jnp.float32),
        jax.ShapeDtypeStruct((Q, NG, 1, NSG), jnp.float32),
    ],
    scratch_shapes=[pltpu.VMEM((Q, D), jnp.float32)],
)


def _select_call(bm2, scv):
    mesh = plsc.VectorSubcoreMesh(core_axis_name="c", subcore_axis_name="s",
                                  num_cores=NC, num_subcores=NS)

    @functools.partial(
        pl.kernel,
        out_type=[
            jax.ShapeDtypeStruct((Q, TOPK), jnp.float32),
            jax.ShapeDtypeStruct((Q, TOPK), jnp.int32),
        ],
        mesh=mesh,
        compiler_params=pltpu.CompilerParams(needs_layout_passes=False,
                                             use_tc_tiling_on_sc=False),
        scratch_types=[
            pltpu.VMEM((NBLK,), jnp.float32),
            pltpu.VMEM((TOPK,), jnp.int32),
            pltpu.VMEM((TOPK,), jnp.int32),
            pltpu.VMEM((TOPK, SB), jnp.float32),
            pltpu.VMEM((TOPK,), jnp.float32),
            pltpu.VMEM((TOPK,), jnp.int32),
            pltpu.SemaphoreType.DMA,
        ],
    )
    def _select(bm_hbm, sc_hbm, ts_out, ti_out,
                bm_v, blk_v, rid_v, cand_v, tsv_v, tiv_v, sem):
        wid = lax.axis_index("s") * NC + lax.axis_index("c")
        pltpu.sync_copy(bm_hbm.at[wid], bm_v)
        lanes = lax.iota(jnp.int32, L)
        neg = jnp.full((L,), -jnp.inf, jnp.float32)
        zeros = jnp.zeros((L,), jnp.int32)

        def merge(tv, ti, v, p):
            sv, sp = plsc.sort_key_val(v, p)
            keep = sv > tv
            nv = jnp.where(keep, sv, tv)
            ni = jnp.where(keep, sp, ti)
            out = plsc.sort_key_val(nv, ni, descending=True)
            return out[0], out[1]

        def body1(i, carry):
            tv, ti = carry
            v = bm_v[pl.ds(pl.multiple_of(i * L, L), L)]
            return merge(tv, ti, v, i * L + lanes)

        tv, ti = lax.fori_loop(0, NBLK // L, body1, (neg, zeros))
        blk_v[...] = ti
        rid_v[...] = wid * NBLK + ti
        pltpu.async_copy(sc_hbm.at[rid_v], cand_v, sem).wait()

        def body2(i, carry):
            tv2, ti2 = carry
            p = i * L + lanes
            rr = p // SB
            cc = p - rr * SB
            v = plsc.load_gather(cand_v, [rr, cc])
            return merge(tv2, ti2, v, p)

        tv2, ti2 = lax.fori_loop(0, TOPK * SB // L, body2, (neg, zeros))
        rr = ti2 // SB
        cc = ti2 - rr * SB
        g = plsc.load_gather(blk_v, [rr])
        gidx = g * SB + cc
        tsv_v[...] = tv2
        tiv_v[...] = gidx
        pltpu.sync_copy(tsv_v, ts_out.at[wid])
        pltpu.sync_copy(tiv_v, ti_out.at[wid])

    return _select(bm2, scv)


def _ret_body(gk_ref, w_ref, br_ref, o_ref):
    o_ref[...] = lax.dot_general(gk_ref[...], w_ref[...],
                                 (((1,), (1,)), ((), ())),
                                 preferred_element_type=jnp.float32) + br_ref[...]


_ret_call = pl.pallas_call(
    _ret_body,
    out_shape=jax.ShapeDtypeStruct((Q * TOPK, D), jnp.float32),
)


def kernel(queries, keys, timestamps, access_counts, W, b, limit):
    del limit
    kt = keys.T
    tsp = jnp.pad(timestamps, (0, KP - K)).reshape(NG, 1, TG)
    acp = jnp.pad(access_counts, (0, KP - K)).reshape(NG, 1, TG)
    scores2, bmax4 = _scores_call(queries, W, b.reshape(1, D),
                                  b.reshape(D, 1), kt, tsp, acp)
    bm2 = bmax4.reshape(Q, NBLK)
    scv = scores2.reshape(Q * NBLK, SB)
    top_scores, top_idx = _select_call(bm2, scv)
    gk = jnp.take(keys, top_idx.reshape(Q * TOPK), axis=0)
    retrieved = _ret_call(gk, W, b.reshape(1, D))
    return top_scores, top_idx, retrieved.reshape(Q, TOPK, D)

# --- scband reference (transcript-rebuilt; emitter-appended) ---
"""Pipeline reference for scband-memory-service-74165495267751 (READ-ONLY COPY).

The authoritative reference and input builder live on the scoring server;
editing this copy changes nothing except your own understanding.
"""

import jax, jax.numpy as jnp
import numpy as np


def setup_inputs(seed: int = 0) -> dict:
    key = jax.random.key(seed)
    k1, k2, k3, k4, k5, k6 = jax.random.split(key, 6)
    Q, K, D = 32, 1000000, 64
    queries = jax.random.normal(k1, (Q, D), dtype=jnp.float32)
    keys = jax.random.normal(k2, (K, D), dtype=jnp.float32)
    timestamps = jax.random.uniform(k3, (K,), dtype=jnp.float32)
    access_counts = jax.random.randint(k4, (K,), 0, 20, dtype=jnp.int32)
    W = jax.random.normal(k5, (D, D), dtype=jnp.float32) / jnp.sqrt(D)
    b = jax.random.normal(k6, (D,), dtype=jnp.float32) * 0.01
    return {"queries": queries, "keys": keys, "timestamps": timestamps,
            "access_counts": access_counts, "W": W, "b": b, "limit": 16}


def reference(queries, keys, timestamps, access_counts, W, b, limit):
    # embedding_proj applied to both query embeddings (read_memory path)
    # and stored memory embeddings (write_memory path)
    q_proj = queries @ W.T + b
    m_proj = keys @ W.T + b
    # cosine similarity between projected query and each memory embedding
    qn = q_proj / (jnp.linalg.norm(q_proj, axis=-1, keepdims=True) + 1e-8)
    mn = m_proj / (jnp.linalg.norm(m_proj, axis=-1, keepdims=True) + 1e-8)
    sim = qn @ mn.T  # [Q, K]
    # recency boost from timestamps (normalized to [0,1], newer = higher)
    recency_boost = 0.2 * timestamps  # [K]
    # access boost: min(access_count * 0.05, 0.3)
    access_boost = jnp.minimum(access_counts.astype(jnp.float32) * 0.05, 0.3)  # [K]
    scores = sim + recency_boost[None, :] + access_boost[None, :]  # [Q, K]
    # retrieve top-`limit` memories per query
    scores = scores + (jnp.asarray(limit) * 0).astype(scores.dtype)
    top_scores, top_idx = jax.lax.top_k(scores, 16)
    # gather the retrieved memory embeddings
    retrieved = jnp.take(m_proj, top_idx, axis=0)  # [Q, limit, D]
    return top_scores, top_idx, retrieved

if __name__ == "__main__":
    import jax
    _d = setup_inputs()
    print(jax.jit(kernel)(*tuple(_d.values())))

</pallas_src>

<mosaic_0001>
#map = affine_map<(d0, d1) -> (0, 0)>
module attributes {stable_mosaic.version = 14 : i64} {
  func.func @_select(%arg0: i32, %arg1: i32, %arg2: memref<32x1984xf32, #tpu.memory_space<hbm>>, %arg3: memref<63488x512xf32, #tpu.memory_space<hbm>>, %arg4: memref<32x16xf32, #tpu.memory_space<hbm>>, %arg5: memref<32x16xi32, #tpu.memory_space<hbm>>, %arg6: memref<1984xf32, #tpu.memory_space<vmem>>, %arg7: memref<16xi32, #tpu.memory_space<vmem>>, %arg8: memref<16xi32, #tpu.memory_space<vmem>>, %arg9: memref<16x512xf32, #tpu.memory_space<vmem>>, %arg10: memref<16xf32, #tpu.memory_space<vmem>>, %arg11: memref<16xi32, #tpu.memory_space<vmem>>, %arg12: memref<!tpu.dma_semaphore, #tpu.memory_space<semaphore_mem>>) attributes {dimension_semantics = [#tpu.dimension_semantics<core_parallel>, #tpu.dimension_semantics<subcore_parallel>], iteration_bounds = array<i64: 2, 16>, scalar_prefetch = 0 : i64, scratch_operands = 7 : i64, tpu.core_type = #tpu.core_type<sc_vector_subcore>, window_params = [{transform_indices = #map}, {transform_indices = #map}, {transform_indices = #map}, {transform_indices = #map}]} {
    %mul3A = arith.constant 2 : i32
    %mul3A_0 = arith.muli %arg1, %mul3A : i32
    %add3A = arith.addi %mul3A_0, %arg0 : i32
    "tpu.region"() ({
      %run_scoped3A = tpu.sem_alloc : memref<!tpu.dma_semaphore, #tpu.memory_space<semaphore_mem>>
      %dma_start3A_61 = arith.constant 0 : i32
      %dma_start3A_62 = tpu.memref_slice %arg2[%add3A, %dma_start3A_61] : memref<32x1984xf32, #tpu.memory_space<hbm>> -> memref<1x1984xf32, #tpu.memory_space<hbm>>
      %dma_start3A_63 = tpu.memref_squeeze %dma_start3A_62 : memref<1x1984xf32, #tpu.memory_space<hbm>> -> memref<1984xf32, #tpu.memory_space<hbm>>
      %dma_start3A_64 = arith.constant 0 : i32
      %dma_start3A_65 = tpu.memref_slice %arg2[%add3A, %dma_start3A_64] : memref<32x1984xf32, #tpu.memory_space<hbm>> -> memref<1x1984xf32, #tpu.memory_space<hbm>>
      %dma_start3A_66 = tpu.memref_squeeze %dma_start3A_65 : memref<1x1984xf32, #tpu.memory_space<hbm>> -> memref<1984xf32, #tpu.memory_space<hbm>>
      tpu.enqueue_dma source(%dma_start3A_66 : memref<1984xf32, #tpu.memory_space<hbm>>) target(%arg6 : memref<1984xf32, #tpu.memory_space<vmem>>) target_semaphore(%run_scoped3A : memref<!tpu.dma_semaphore, #tpu.memory_space<semaphore_mem>>)
      %dma_wait3A_67 = arith.constant 0 : i32
      %dma_wait3A_68 = tpu.memref_slice %arg2[%add3A, %dma_wait3A_67] : memref<32x1984xf32, #tpu.memory_space<hbm>> -> memref<1x1984xf32, #tpu.memory_space<hbm>>
      %dma_wait3A_69 = tpu.memref_squeeze %dma_wait3A_68 : memref<1x1984xf32, #tpu.memory_space<hbm>> -> memref<1984xf32, #tpu.memory_space<hbm>>
      %dma_wait3A_70 = arith.constant 0 : i32
      %dma_wait3A_71 = tpu.memref_slice %arg2[%add3A, %dma_wait3A_70] : memref<32x1984xf32, #tpu.memory_space<hbm>> -> memref<1x1984xf32, #tpu.memory_space<hbm>>
      %dma_wait3A_72 = tpu.memref_squeeze %dma_wait3A_71 : memref<1x1984xf32, #tpu.memory_space<hbm>> -> memref<1984xf32, #tpu.memory_space<hbm>>
      tpu.wait_dma2 semaphore(%run_scoped3A : memref<!tpu.dma_semaphore, #tpu.memory_space<semaphore_mem>>) src(%dma_wait3A_72 : memref<1984xf32, #tpu.memory_space<hbm>>) dst(%arg6 : memref<1984xf32, #tpu.memory_space<vmem>>)
      tpu.yield
    }) : () -> ()
    %iota3A = tpu.iota {dimensions = array<i32: 0>} : vector<16xi32>
    %broadcast_in_dim3A = arith.constant 0xFF800000 : f32
    %broadcast_in_dim3A_1 = vector.broadcast %broadcast_in_dim3A : f32 to vector<16xf32>
    %broadcast_in_dim3A_2 = arith.constant 0 : i32
    %broadcast_in_dim3A_3 = vector.broadcast %broadcast_in_dim3A_2 : i32 to vector<16xi32>
    %scan3A = arith.constant 0 : i32
    %scan3A_4 = arith.constant 124 : i32
    %scan3A_5 = arith.addi %scan3A, %scan3A_4 : i32
    %scan3A_6 = arith.constant 1 : i32
    %scan3A_7:2 = scf.for %scan3A_61 = %scan3A to %scan3A_5 step %scan3A_6 iter_args(%scan3A_62 = %broadcast_in_dim3A_1, %scan3A_63 = %broadcast_in_dim3A_3) -> (vector<16xf32>, vector<16xi32>)  : i32 {
      %mul3A_64 = arith.constant 16 : i32
      %mul3A_65 = arith.muli %scan3A_61, %mul3A_64 : i32
      %multiple_of3A = tpu.assume_multiple %mul3A_65, 16 : i32
      %get3A = arith.index_cast %multiple_of3A : i32 to index
      %get3A_66 = tpu.vector_load %arg6[%get3A] {strides = array<i32>} : memref<1984xf32, #tpu.memory_space<vmem>>, vector<16xf32>,
      %mul3A_67 = arith.constant 16 : i32
      %mul3A_68 = arith.muli %scan3A_61, %mul3A_67 : i32
      %add3A_69 = vector.broadcast %mul3A_68 : i32 to vector<16xi32>
      %add3A_70 = arith.addi %add3A_69, %iota3A : vector<16xi32>
      %masked_sort3A = arith.constant dense<true> : vector<16xi1>
      %masked_sort3A_71, %masked_sort3A_72, %masked_sort3A_73 = tpu.sort %get3A_66, %add3A_70 masked %masked_sort3A : (vector<16xf32>, vector<16xi32>, vector<16xi1>) -> (vector<16xi1>, vector<16xf32>, vector<16xi32>)
      %gt3A = arith.cmpf ogt, %masked_sort3A_72, %scan3A_62 : vector<16xf32>
      %select_n3A_74 = arith.select %gt3A, %masked_sort3A_72, %scan3A_62 : vector<16xi1>, vector<16xf32>
      %select_n3A_75 = arith.select %gt3A, %masked_sort3A_73, %scan3A_63 : vector<16xi1>, vector<16xi32>
      %masked_sort3A_76 = arith.constant dense<true> : vector<16xi1>
      %masked_sort3A_77, %masked_sort3A_78, %masked_sort3A_79 = tpu.sort %select_n3A_74, %select_n3A_75 masked %masked_sort3A_76 {descending = true} : (vector<16xf32>, vector<16xi32>, vector<16xi1>) -> (vector<16xi1>, vector<16xf32>, vector<16xi32>)
      scf.yield %masked_sort3A_78, %masked_sort3A_79 : vector<16xf32>, vector<16xi32>
    }
    %scan3A_8 = arith.constant 124 : i32
    %swap3A = arith.constant 0 : index
    %swap3A_9 = tpu.vector_load %arg7[%swap3A] {strides = array<i32>} : memref<16xi32, #tpu.memory_space<vmem>>, vector<16xi32>,
    tpu.vector_store %arg7[%swap3A], %scan3A_7#1 {strides = array<i32>} : memref<16xi32, #tpu.memory_space<vmem>>, vector<16xi32>,
    %mul3A_10 = arith.constant 1984 : i32
    %mul3A_11 = arith.muli %add3A, %mul3A_10 : i32
    %add3A_12 = vector.broadcast %mul3A_11 : i32 to vector<16xi32>
    %add3A_13 = arith.addi %add3A_12, %scan3A_7#1 : vector<16xi32>
    %swap3A_14 = arith.constant 0 : index
    %swap3A_15 = tpu.vector_load %arg8[%swap3A_14] {strides = array<i32>} : memref<16xi32, #tpu.memory_space<vmem>>, vector<16xi32>,
    tpu.vector_store %arg8[%swap3A_14], %add3A_13 {strides = array<i32>} : memref<16xi32, #tpu.memory_space<vmem>>, vector<16xi32>,
    %dma_start3A = arith.constant 0 : i32
    %dma_start3A_16 = arith.constant 0 : i32
    %dma_start3A_17 = tpu.memref_slice %arg3[%dma_start3A, %dma_start3A_16] : memref<63488x512xf32, #tpu.memory_space<hbm>> -> memref<63488x512xf32, #tpu.memory_space<hbm>>
    tpu.enqueue_indirect_dma source(%dma_start3A_17 : memref<63488x512xf32, #tpu.memory_space<hbm>>) target(%arg9 : memref<16x512xf32, #tpu.memory_space<vmem>>) offsets(%arg8 : memref<16xi32, #tpu.memory_space<vmem>>) semaphore(%arg12 : memref<!tpu.dma_semaphore, #tpu.memory_space<semaphore_mem>>)
    %dma_wait3A = arith.constant 0 : i32
    %dma_wait3A_18 = arith.constant 0 : i32
    %dma_wait3A_19 = tpu.memref_slice %arg3[%dma_wait3A, %dma_wait3A_18] : memref<63488x512xf32, #tpu.memory_space<hbm>> -> memref<63488x512xf32, #tpu.memory_space<hbm>>
    tpu.wait_indirect_dma semaphore(%arg12 : memref<!tpu.dma_semaphore, #tpu.memory_space<semaphore_mem>>) src(%dma_wait3A_19 : memref<63488x512xf32, #tpu.memory_space<hbm>>) dst(%arg9 : memref<16x512xf32, #tpu.memory_space<vmem>>)
    %scan3A_20 = arith.constant 0 : i32
    %scan3A_21 = arith.constant 512 : i32
    %scan3A_22 = arith.addi %scan3A_20, %scan3A_21 : i32
    %scan3A_23 = arith.constant 1 : i32
    %scan3A_24:2 = scf.for %scan3A_61 = %scan3A_20 to %scan3A_22 step %scan3A_23 iter_args(%scan3A_62 = %broadcast_in_dim3A_1, %scan3A_63 = %broadcast_in_dim3A_3) -> (vector<16xf32>, vector<16xi32>)  : i32 {
      %mul3A_64 = arith.constant 16 : i32
      %mul3A_65 = arith.muli %scan3A_61, %mul3A_64 : i32
      %add3A_66 = vector.broadcast %mul3A_65 : i32 to vector<16xi32>
      %add3A_67 = arith.addi %add3A_66, %iota3A : vector<16xi32>
      %jit3A_68 = arith.constant 512 : i32
      %div3A_69 = vector.broadcast %jit3A_68 : i32 to vector<16xi32>
      %div3A_70 = arith.divsi %add3A_67, %div3A_69 : vector<16xi32>
      %sign3A_71 = arith.constant 0 : i32
      %sign3A_72 = vector.broadcast %sign3A_71 : i32 to vector<16xi32>
      %sign3A_73 = arith.cmpi sgt, %add3A_67, %sign3A_72 : vector<16xi32>
      %sign3A_74 = arith.extui %sign3A_73 : vector<16xi1> to vector<16xi32>
      %sign3A_75 = arith.constant 0 : i32
      %sign3A_76 = vector.broadcast %sign3A_75 : i32 to vector<16xi32>
      %sign3A_77 = arith.cmpi slt, %add3A_67, %sign3A_76 : vector<16xi32>
      %sign3A_78 = arith.extui %sign3A_77 : vector<16xi1> to vector<16xi32>
      %sign3A_79 = arith.subi %sign3A_74, %sign3A_78 : vector<16xi32>
      %sign3A_80 = arith.constant 0 : i32
      %sign3A_81 = arith.cmpi sgt, %jit3A_68, %sign3A_80 : i32
      %sign3A_82 = arith.extui %sign3A_81 : i1 to i32
      %sign3A_83 = arith.constant 0 : i32
      %sign3A_84 = arith.cmpi slt, %jit3A_68, %sign3A_83 : i32
      %sign3A_85 = arith.extui %sign3A_84 : i1 to i32
      %sign3A_86 = arith.subi %sign3A_82, %sign3A_85 : i32
      %ne3A_87 = vector.broadcast %sign3A_86 : i32 to vector<16xi32>
      %ne3A_88 = arith.cmpi ne, %sign3A_79, %ne3A_87 : vector<16xi32>
      %rem3A_89 = vector.broadcast %jit3A_68 : i32 to vector<16xi32>
      %rem3A_90 = arith.remsi %add3A_67, %rem3A_89 : vector<16xi32>
      %ne3A_91 = arith.constant 0 : i32
      %ne3A_92 = vector.broadcast %ne3A_91 : i32 to vector<16xi32>
      %ne3A_93 = arith.cmpi ne, %rem3A_90, %ne3A_92 : vector<16xi32>
      %and3A_94 = arith.andi %ne3A_88, %ne3A_93 : vector<16xi1>
      %sub3A_95 = arith.constant 1 : i32
      %sub3A_96 = vector.broadcast %sub3A_95 : i32 to vector<16xi32>
      %sub3A_97 = arith.subi %div3A_70, %sub3A_96 : vector<16xi32>
      %select_n3A_98 = arith.select %and3A_94, %sub3A_97, %div3A_70 : vector<16xi1>, vector<16xi32>
      %mul3A_99 = arith.constant 512 : i32
      %mul3A_100 = vector.broadcast %mul3A_99 : i32 to vector<16xi32>
      %mul3A_101 = arith.muli %select_n3A_98, %mul3A_100 : vector<16xi32>
      %sub3A_102 = arith.subi %add3A_67, %mul3A_101 : vector<16xi32>
      %gather3A_103 = tpu.vector_load_idx %arg9[%select_n3A_98, %sub3A_102] : memref<16x512xf32, #tpu.memory_space<vmem>>[vector<16xi32>, vector<16xi32>], vector<16xf32>,
      %masked_sort3A = arith.constant dense<true> : vector<16xi1>
      %masked_sort3A_104, %masked_sort3A_105, %masked_sort3A_106 = tpu.sort %gather3A_103, %add3A_67 masked %masked_sort3A : (vector<16xf32>, vector<16xi32>, vector<16xi1>) -> (vector<16xi1>, vector<16xf32>, vector<16xi32>)
      %gt3A = arith.cmpf ogt, %masked_sort3A_105, %scan3A_62 : vector<16xf32>
      %select_n3A_107 = arith.select %gt3A, %masked_sort3A_105, %scan3A_62 : vector<16xi1>, vector<16xf32>
      %select_n3A_108 = arith.select %gt3A, %masked_sort3A_106, %scan3A_63 : vector<16xi1>, vector<16xi32>
      %masked_sort3A_109 = arith.constant dense<true> : vector<16xi1>
      %masked_sort3A_110, %masked_sort3A_111, %masked_sort3A_112 = tpu.sort %select_n3A_107, %select_n3A_108 masked %masked_sort3A_109 {descending = true} : (vector<16xf32>, vector<16xi32>, vector<16xi1>) -> (vector<16xi1>, vector<16xf32>, vector<16xi32>)
      scf.yield %masked_sort3A_111, %masked_sort3A_112 : vector<16xf32>, vector<16xi32>
    }
    %scan3A_25 = arith.constant 512 : i32
    %jit3A = arith.constant 512 : i32
    %div3A = vector.broadcast %jit3A : i32 to vector<16xi32>
    %div3A_26 = arith.divsi %scan3A_24#1, %div3A : vector<16xi32>
    %sign3A = arith.constant 0 : i32
    %sign3A_27 = vector.broadcast %sign3A : i32 to vector<16xi32>
    %sign3A_28 = arith.cmpi sgt, %scan3A_24#1, %sign3A_27 : vector<16xi32>
    %sign3A_29 = arith.extui %sign3A_28 : vector<16xi1> to vector<16xi32>
    %sign3A_30 = arith.constant 0 : i32
    %sign3A_31 = vector.broadcast %sign3A_30 : i32 to vector<16xi32>
    %sign3A_32 = arith.cmpi slt, %scan3A_24#1, %sign3A_31 : vector<16xi32>
    %sign3A_33 = arith.extui %sign3A_32 : vector<16xi1> to vector<16xi32>
    %sign3A_34 = arith.subi %sign3A_29, %sign3A_33 : vector<16xi32>
    %sign3A_35 = arith.constant 0 : i32
    %sign3A_36 = arith.cmpi sgt, %jit3A, %sign3A_35 : i32
    %sign3A_37 = arith.extui %sign3A_36 : i1 to i32
    %sign3A_38 = arith.constant 0 : i32
    %sign3A_39 = arith.cmpi slt, %jit3A, %sign3A_38 : i32
    %sign3A_40 = arith.extui %sign3A_39 : i1 to i32
    %sign3A_41 = arith.subi %sign3A_37, %sign3A_40 : i32
    %ne3A = vector.broadcast %sign3A_41 : i32 to vector<16xi32>
    %ne3A_42 = arith.cmpi ne, %sign3A_34, %ne3A : vector<16xi32>
    %rem3A = vector.broadcast %jit3A : i32 to vector<16xi32>
    %rem3A_43 = arith.remsi %scan3A_24#1, %rem3A : vector<16xi32>
    %ne3A_44 = arith.constant 0 : i32
    %ne3A_45 = vector.broadcast %ne3A_44 : i32 to vector<16xi32>
    %ne3A_46 = arith.cmpi ne, %rem3A_43, %ne3A_45 : vector<16xi32>
    %and3A = arith.andi %ne3A_42, %ne3A_46 : vector<16xi1>
    %sub3A = arith.constant 1 : i32
    %sub3A_47 = vector.broadcast %sub3A : i32 to vector<16xi32>
    %sub3A_48 = arith.subi %div3A_26, %sub3A_47 : vector<16xi32>
    %select_n3A = arith.select %and3A, %sub3A_48, %div3A_26 : vector<16xi1>, vector<16xi32>
    %mul3A_49 = arith.constant 512 : i32
    %mul3A_50 = vector.broadcast %mul3A_49 : i32 to vector<16xi32>
    %mul3A_51 = arith.muli %select_n3A, %mul3A_50 : vector<16xi32>
    %sub3A_52 = arith.subi %scan3A_24#1, %mul3A_51 : vector<16xi32>
    %gather3A = tpu.vector_load_idx %arg7[%select_n3A] : memref<16xi32, #tpu.memory_space<vmem>>[vector<16xi32>], vector<16xi32>,
    %mul3A_53 = arith.constant 512 : i32
    %mul3A_54 = vector.broadcast %mul3A_53 : i32 to vector<16xi32>
    %mul3A_55 = arith.muli %gather3A, %mul3A_54 : vector<16xi32>
    %add3A_56 = arith.addi %mul3A_55, %sub3A_52 : vector<16xi32>
    %swap3A_57 = arith.constant 0 : index
    %swap3A_58 = tpu.vector_load %arg10[%swap3A_57] {strides = array<i32>} : memref<16xf32, #tpu.memory_space<vmem>>, vector<16xf32>,
    tpu.vector_store %arg10[%swap3A_57], %scan3A_24#0 {strides = array<i32>} : memref<16xf32, #tpu.memory_space<vmem>>, vector<16xf32>,
    %swap3A_59 = arith.constant 0 : index
    %swap3A_60 = tpu.vector_load %arg11[%swap3A_59] {strides = array<i32>} : memref<16xi32, #tpu.memory_space<vmem>>, vector<16xi32>,
    tpu.vector_store %arg11[%swap3A_59], %add3A_56 {strides = array<i32>} : memref<16xi32, #tpu.memory_space<vmem>>, vector<16xi32>,
    "tpu.region"() ({
      %run_scoped3A = tpu.sem_alloc : memref<!tpu.dma_semaphore, #tpu.memory_space<semaphore_mem>>
      %dma_start3A_61 = arith.constant 0 : i32
      %dma_start3A_62 = tpu.memref_slice %arg4[%add3A, %dma_start3A_61] : memref<32x16xf32, #tpu.memory_space<hbm>> -> memref<1x16xf32, #tpu.memory_space<hbm>>
      %dma_start3A_63 = tpu.memref_squeeze %dma_start3A_62 : memref<1x16xf32, #tpu.memory_space<hbm>> -> memref<16xf32, #tpu.memory_space<hbm>>
      %dma_start3A_64 = arith.constant 0 : i32
      %dma_start3A_65 = tpu.memref_slice %arg4[%add3A, %dma_start3A_64] : memref<32x16xf32, #tpu.memory_space<hbm>> -> memref<1x16xf32, #tpu.memory_space<hbm>>
      %dma_start3A_66 = tpu.memref_squeeze %dma_start3A_65 : memref<1x16xf32, #tpu.memory_space<hbm>> -> memref<16xf32, #tpu.memory_space<hbm>>
      tpu.enqueue_dma source(%arg10 : memref<16xf32, #tpu.memory_space<vmem>>) target(%dma_start3A_66 : memref<16xf32, #tpu.memory_space<hbm>>) target_semaphore(%run_scoped3A : memref<!tpu.dma_semaphore, #tpu.memory_space<semaphore_mem>>)
      %dma_wait3A_67 = arith.constant 0 : i32
      %dma_wait3A_68 = tpu.memref_slice %arg4[%add3A, %dma_wait3A_67] : memref<32x16xf32, #tpu.memory_space<hbm>> -> memref<1x16xf32, #tpu.memory_space<hbm>>
      %dma_wait3A_69 = tpu.memref_squeeze %dma_wait3A_68 : memref<1x16xf32, #tpu.memory_space<hbm>> -> memref<16xf32, #tpu.memory_space<hbm>>
      %dma_wait3A_70 = arith.constant 0 : i32
      %dma_wait3A_71 = tpu.memref_slice %arg4[%add3A, %dma_wait3A_70] : memref<32x16xf32, #tpu.memory_space<hbm>> -> memref<1x16xf32, #tpu.memory_space<hbm>>
      %dma_wait3A_72 = tpu.memref_squeeze %dma_wait3A_71 : memref<1x16xf32, #tpu.memory_space<hbm>> -> memref<16xf32, #tpu.memory_space<hbm>>
      tpu.wait_dma2 semaphore(%run_scoped3A : memref<!tpu.dma_semaphore, #tpu.memory_space<semaphore_mem>>) src(%arg10 : memref<16xf32, #tpu.memory_space<vmem>>) dst(%dma_wait3A_72 : memref<16xf32, #tpu.memory_space<hbm>>)
      tpu.yield
    }) : () -> ()
    "tpu.region"() ({
      %run_scoped3A = tpu.sem_alloc : memref<!tpu.dma_semaphore, #tpu.memory_space<semaphore_mem>>
      %dma_start3A_61 = arith.constant 0 : i32
      %dma_start3A_62 = tpu.memref_slice %arg5[%add3A, %dma_start3A_61] : memref<32x16xi32, #tpu.memory_space<hbm>> -> memref<1x16xi32, #tpu.memory_space<hbm>>
      %dma_start3A_63 = tpu.memref_squeeze %dma_start3A_62 : memref<1x16xi32, #tpu.memory_space<hbm>> -> memref<16xi32, #tpu.memory_space<hbm>>
      %dma_start3A_64 = arith.constant 0 : i32
      %dma_start3A_65 = tpu.memref_slice %arg5[%add3A, %dma_start3A_64] : memref<32x16xi32, #tpu.memory_space<hbm>> -> memref<1x16xi32, #tpu.memory_space<hbm>>
      %dma_start3A_66 = tpu.memref_squeeze %dma_start3A_65 : memref<1x16xi32, #tpu.memory_space<hbm>> -> memref<16xi32, #tpu.memory_space<hbm>>
      tpu.enqueue_dma source(%arg11 : memref<16xi32, #tpu.memory_space<vmem>>) target(%dma_start3A_66 : memref<16xi32, #tpu.memory_space<hbm>>) target_semaphore(%run_scoped3A : memref<!tpu.dma_semaphore, #tpu.memory_space<semaphore_mem>>)
      %dma_wait3A_67 = arith.constant 0 : i32
      %dma_wait3A_68 = tpu.memref_slice %arg5[%add3A, %dma_wait3A_67] : memref<32x16xi32, #tpu.memory_space<hbm>> -> memref<1x16xi32, #tpu.memory_space<hbm>>
      %dma_wait3A_69 = tpu.memref_squeeze %dma_wait3A_68 : memref<1x16xi32, #tpu.memory_space<hbm>> -> memref<16xi32, #tpu.memory_space<hbm>>
      %dma_wait3A_70 = arith.constant 0 : i32
      %dma_wait3A_71 = tpu.memref_slice %arg5[%add3A, %dma_wait3A_70] : memref<32x16xi32, #tpu.memory_space<hbm>> -> memref<1x16xi32, #tpu.memory_space<hbm>>
      %dma_wait3A_72 = tpu.memref_squeeze %dma_wait3A_71 : memref<1x16xi32, #tpu.memory_space<hbm>> -> memref<16xi32, #tpu.memory_space<hbm>>
      tpu.wait_dma2 semaphore(%run_scoped3A : memref<!tpu.dma_semaphore, #tpu.memory_space<semaphore_mem>>) src(%arg11 : memref<16xi32, #tpu.memory_space<vmem>>) dst(%dma_wait3A_72 : memref<16xi32, #tpu.memory_space<hbm>>)
      tpu.yield
    }) : () -> ()
    return
  }
}

module attributes {stable_mosaic.version = 14 : i64} {
  func.func @_scores_body(%arg0: i32, %arg1: memref<32x64xf32, #tpu.memory_space<vmem>>, %arg2: memref<64x64xf32, #tpu.memory_space<vmem>>, %arg3: memref<1x64xf32, #tpu.memory_space<vmem>>, %arg4: memref<64x1xf32, #tpu.memory_space<vmem>>, %arg5: memref<64x16384xf32, #tpu.memory_space<vmem>>, %arg6: memref<1x1x16384xf32, #tpu.memory_space<vmem>>, %arg7: memref<1x1x16384xi32, #tpu.memory_space<vmem>>, %arg8: memref<32x16384xf32, #tpu.memory_space<vmem>>, %arg9: memref<32x1x1x32xf32, #tpu.memory_space<vmem>>, %arg10: memref<32x64xf32, #tpu.memory_space<vmem>>) attributes {dimension_semantics = [#tpu.dimension_semantics<arbitrary>], iteration_bounds = array<i64: 62>, scalar_prefetch = 0 : i64, scratch_operands = 1 : i64, tpu.core_type = #tpu.core_type<tc>, window_params = [{pipeline_mode = #tpu.pipeline_mode<synchronous>, transform_indices = @transform_0, window_bounds = array<i64: 32, 64>}, {pipeline_mode = #tpu.pipeline_mode<synchronous>, transform_indices = @transform_1, window_bounds = array<i64: 64, 64>}, {pipeline_mode = #tpu.pipeline_mode<synchronous>, transform_indices = @transform_2, window_bounds = array<i64: 1, 64>}, {pipeline_mode = #tpu.pipeline_mode<synchronous>, transform_indices = @transform_3, window_bounds = array<i64: 64, 1>}, {transform_indices = @transform_4, window_bounds = array<i64: 64, 16384>}, {transform_indices = @transform_5, window_bounds = array<i64: 1, 1, 16384>}, {transform_indices = @transform_6, window_bounds = array<i64: 1, 1, 16384>}, {transform_indices = @transform_7, window_bounds = array<i64: 32, 16384>}, {transform_indices = @transform_8, window_bounds = array<i64: 32, 1, 1, 32>}]} {
    %eq3A = arith.constant 0 : i32
    %eq3A_0 = arith.cmpi eq, %arg0, %eq3A : i32
    %convert_element_type3A = arith.extui %eq3A_0 : i1 to i32
    %cond3A = arith.constant 0 : i32
    %cond3A_1 = arith.cmpi ne, %convert_element_type3A, %cond3A : i32
    scf.if %cond3A_1 {
      %get3A_191 = arith.constant 0 : index
      %get3A_192 = arith.constant 0 : index
      %get3A_193 = vector.load %arg1[%get3A_191, %get3A_192] : memref<32x64xf32, #tpu.memory_space<vmem>>, vector<32x64xf32>
      %get3A_194 = arith.constant 0 : index
      %get3A_195 = arith.constant 0 : index
      %get3A_196 = vector.load %arg2[%get3A_194, %get3A_195] : memref<64x64xf32, #tpu.memory_space<vmem>>, vector<64x64xf32>
      %dot_general3A_197 = arith.constant dense<0.000000e+00> : vector<32x64xf32>
      %dot_general3A_198 = tpu.matmul %get3A_193, %get3A_196, %dot_general3A_197 {dimension_numbers = #tpu.dot_dimension_numbers<[1], [1], [0], [0], [0, 0, 1, 0], [], []>, transpose_lhs_hint = false} : vector<32x64xf32>, vector<64x64xf32>, vector<32x64xf32> -> vector<32x64xf32>
      %get3A_199 = arith.constant 0 : index
      %get3A_200 = arith.constant 0 : index
      %get3A_201 = vector.load %arg3[%get3A_199, %get3A_200] : memref<1x64xf32, #tpu.memory_space<vmem>>, vector<1x64xf32>
      %add3A_202 = vector.broadcast %get3A_201 : vector<1x64xf32> to vector<32x64xf32>
      %add3A_203 = arith.addf %dot_general3A_198, %add3A_202 : vector<32x64xf32>
      %mul3A_204 = arith.mulf %add3A_203, %add3A_203 : vector<32x64xf32>
      %reduce_sum3A_205 = arith.constant dense<0.000000e+00> : vector<32xf32>
      %reduce_sum3A_206 = vector.multi_reduction <add>, %mul3A_204, %reduce_sum3A_205 [1] : vector<32x64xf32> to vector<32xf32>
      %broadcast_in_dim3A_207 = vector.shape_cast %reduce_sum3A_206 : vector<32xf32> to vector<32x1xf32>
      %sqrt3A_208 = math.sqrt %broadcast_in_dim3A_207 : vector<32x1xf32>
      %add3A_209 = arith.constant 9.99999993E-9 : f32
      %add3A_210 = vector.broadcast %add3A_209 : f32 to vector<32x1xf32>
      %add3A_211 = arith.addf %sqrt3A_208, %add3A_210 : vector<32x1xf32>
      %div3A_212 = vector.broadcast %add3A_211 : vector<32x1xf32> to vector<32x64xf32>
      %div3A_213 = arith.divf %add3A_203, %div3A_212 : vector<32x64xf32>
      %swap3A_214 = arith.constant 0 : index
      %swap3A_215 = arith.constant 0 : index
      %swap3A_216 = vector.load %arg10[%swap3A_214, %swap3A_215] : memref<32x64xf32, #tpu.memory_space<vmem>>, vector<32x64xf32>
      tpu.vector_store %arg10[%swap3A_214, %swap3A_215], %div3A_213 {strides = array<i32>} : memref<32x64xf32, #tpu.memory_space<vmem>>, vector<32x64xf32>,
    } else {
    }
    %get3A = arith.constant 0 : index
    %get3A_2 = arith.constant 0 : index
    %get3A_3 = vector.load %arg2[%get3A, %get3A_2] : memref<64x64xf32, #tpu.memory_space<vmem>>, vector<64x64xf32>
    %get3A_4 = arith.constant 0 : index
    %get3A_5 = arith.constant 0 : index
    %get3A_6 = vector.load %arg5[%get3A_4, %get3A_5] : memref<64x16384xf32, #tpu.memory_space<vmem>>, vector<64x16384xf32>
    %dot_general3A = arith.constant dense<0.000000e+00> : vector<64x16384xf32>
    %dot_general3A_7 = tpu.matmul %get3A_3, %get3A_6, %dot_general3A {dimension_numbers = #tpu.dot_dimension_numbers<[1], [0], [0], [1], [0, 0, 1, 1], [], []>, transpose_lhs_hint = false} : vector<64x64xf32>, vector<64x16384xf32>, vector<64x16384xf32> -> vector<64x16384xf32>
    %get3A_8 = arith.constant 0 : index
    %get3A_9 = arith.constant 0 : index
    %get3A_10 = vector.load %arg4[%get3A_8, %get3A_9] : memref<64x1xf32, #tpu.memory_space<vmem>>, vector<64x1xf32>
    %add3A = vector.broadcast %get3A_10 : vector<64x1xf32> to vector<64x16384xf32>
    %add3A_11 = arith.addf %dot_general3A_7, %add3A : vector<64x16384xf32>
    %mul3A = arith.mulf %add3A_11, %add3A_11 : vector<64x16384xf32>
    %reduce_sum3A = arith.constant dense<0.000000e+00> : vector<16384xf32>
    %reduce_sum3A_12 = vector.multi_reduction <add>, %mul3A, %reduce_sum3A [0] : vector<64x16384xf32> to vector<16384xf32>
    %broadcast_in_dim3A = vector.shape_cast %reduce_sum3A_12 : vector<16384xf32> to vector<1x16384xf32>
    %sqrt3A = math.sqrt %broadcast_in_dim3A : vector<1x16384xf32>
    %add3A_13 = arith.constant 9.99999993E-9 : f32
    %add3A_14 = vector.broadcast %add3A_13 : f32 to vector<1x16384xf32>
    %add3A_15 = arith.addf %sqrt3A, %add3A_14 : vector<1x16384xf32>
    %div3A = vector.broadcast %add3A_15 : vector<1x16384xf32> to vector<64x16384xf32>
    %div3A_16 = arith.divf %add3A_11, %div3A : vector<64x16384xf32>
    %get3A_17 = arith.constant 0 : index
    %get3A_18 = arith.constant 0 : index
    %get3A_19 = vector.load %arg10[%get3A_17, %get3A_18] : memref<32x64xf32, #tpu.memory_space<vmem>>, vector<32x64xf32>
    %dot_general3A_20 = arith.constant dense<0.000000e+00> : vector<32x16384xf32>
    %dot_general3A_21 = tpu.matmul %get3A_19, %div3A_16, %dot_general3A_20 {dimension_numbers = #tpu.dot_dimension_numbers<[1], [0], [0], [1], [0, 0, 1, 1], [], []>, transpose_lhs_hint = false} : vector<32x64xf32>, vector<64x16384xf32>, vector<32x16384xf32> -> vector<32x16384xf32>
    %get3A_22 = arith.constant 0 : index
    %get3A_23 = arith.constant 0 : index
    %get3A_24 = arith.constant 0 : index
    %get3A_25 = vector.load %arg6[%get3A_22, %get3A_23, %get3A_24] : memref<1x1x16384xf32, #tpu.memory_space<vmem>>, vector<1x1x16384xf32>
    %get3A_26 = vector.shape_cast %get3A_25 : vector<1x1x16384xf32> to vector<16384xf32>
    %get3A_27 = arith.constant 0 : index
    %get3A_28 = arith.constant 0 : index
    %get3A_29 = arith.constant 0 : index
    %get3A_30 = vector.load %arg7[%get3A_27, %get3A_28, %get3A_29] : memref<1x1x16384xi32, #tpu.memory_space<vmem>>, vector<1x1x16384xi32>
    %get3A_31 = vector.shape_cast %get3A_30 : vector<1x1x16384xi32> to vector<16384xi32>
    %convert_element_type3A_32 = arith.sitofp %get3A_31 : vector<16384xi32> to vector<16384xf32>
    %mul3A_33 = arith.constant 2.000000e-01 : f32
    %mul3A_34 = vector.broadcast %mul3A_33 : f32 to vector<16384xf32>
    %mul3A_35 = arith.mulf %mul3A_34, %get3A_26 : vector<16384xf32>
    %broadcast_in_dim3A_36 = vector.shape_cast %mul3A_35 : vector<16384xf32> to vector<1x16384xf32>
    %add3A_37 = vector.broadcast %broadcast_in_dim3A_36 : vector<1x16384xf32> to vector<32x16384xf32>
    %add3A_38 = arith.addf %dot_general3A_21, %add3A_37 : vector<32x16384xf32>
    %mul3A_39 = arith.constant 5.000000e-02 : f32
    %mul3A_40 = vector.broadcast %mul3A_39 : f32 to vector<16384xf32>
    %mul3A_41 = arith.mulf %convert_element_type3A_32, %mul3A_40 : vector<16384xf32>
    %min3A = arith.constant 3.000000e-01 : f32
    %min3A_42 = vector.broadcast %min3A : f32 to vector<16384xf32>
    %min3A_43 = arith.minimumf %mul3A_41, %min3A_42 : vector<16384xf32>
    %broadcast_in_dim3A_44 = vector.shape_cast %min3A_43 : vector<16384xf32> to vector<1x16384xf32>
    %add3A_45 = vector.broadcast %broadcast_in_dim3A_44 : vector<1x16384xf32> to vector<32x16384xf32>
    %add3A_46 = arith.addf %add3A_38, %add3A_45 : vector<32x16384xf32>
    %mul3A_47 = arith.constant 16384 : i32
    %mul3A_48 = arith.muli %arg0, %mul3A_47 : i32
    %iota3A = tpu.iota {dimensions = array<i32: 1>} : vector<1x16384xi32>
    %add3A_49 = vector.broadcast %mul3A_48 : i32 to vector<1x16384xi32>
    %add3A_50 = arith.addi %add3A_49, %iota3A : vector<1x16384xi32>
    %lt3A = arith.constant 1000000 : i32
    %lt3A_51 = vector.broadcast %lt3A : i32 to vector<1x16384xi32>
    %lt3A_52 = arith.cmpi slt, %add3A_50, %lt3A_51 : vector<1x16384xi32>
    %jit3A = arith.constant 0xFF800000 : f32
    %broadcast_in_dim3A_53 = vector.shape_cast %lt3A_52 : vector<1x16384xi1> to vector<1x16384xi1>
    %broadcast_in_dim3A_54 = vector.broadcast %broadcast_in_dim3A_53 : vector<1x16384xi1> to vector<32x16384xi1>
    %broadcast_in_dim3A_55 = vector.broadcast %jit3A : f32 to vector<32x16384xf32>
    %select_n3A = arith.select %broadcast_in_dim3A_54, %add3A_46, %broadcast_in_dim3A_55 : vector<32x16384xi1>, vector<32x16384xf32>
    %swap3A = arith.constant 0 : index
    %swap3A_56 = arith.constant 0 : index
    %swap3A_57 = vector.load %arg8[%swap3A, %swap3A_56] : memref<32x16384xf32, #tpu.memory_space<vmem>>, vector<32x16384xf32>
    tpu.vector_store %arg8[%swap3A, %swap3A_56], %select_n3A {strides = array<i32>} : memref<32x16384xf32, #tpu.memory_space<vmem>>, vector<32x16384xf32>,
    %slice3A = vector.extract_strided_slice %select_n3A {offsets = [0, 0], sizes = [32, 512], strides = [1, 1]} : vector<32x16384xf32> to vector<32x512xf32>
    %reduce_max3A = arith.constant dense<0xFF800000> : vector<32xf32>
    %reduce_max3A_58 = vector.multi_reduction <maximumf>, %slice3A, %reduce_max3A [1] : vector<32x512xf32> to vector<32xf32>
    %broadcast_in_dim3A_59 = vector.shape_cast %reduce_max3A_58 : vector<32xf32> to vector<32x1xf32>
    %slice3A_60 = vector.extract_strided_slice %select_n3A {offsets = [0, 512], sizes = [32, 512], strides = [1, 1]} : vector<32x16384xf32> to vector<32x512xf32>
    %reduce_max3A_61 = arith.constant dense<0xFF800000> : vector<32xf32>
    %reduce_max3A_62 = vector.multi_reduction <maximumf>, %slice3A_60, %reduce_max3A_61 [1] : vector<32x512xf32> to vector<32xf32>
    %broadcast_in_dim3A_63 = vector.shape_cast %reduce_max3A_62 : vector<32xf32> to vector<32x1xf32>
    %slice3A_64 = vector.extract_strided_slice %select_n3A {offsets = [0, 1024], sizes = [32, 512], strides = [1, 1]} : vector<32x16384xf32> to vector<32x512xf32>
    %reduce_max3A_65 = arith.constant dense<0xFF800000> : vector<32xf32>
    %reduce_max3A_66 = vector.multi_reduction <maximumf>, %slice3A_64, %reduce_max3A_65 [1] : vector<32x512xf32> to vector<32xf32>
    %broadcast_in_dim3A_67 = vector.shape_cast %reduce_max3A_66 : vector<32xf32> to vector<32x1xf32>
    %slice3A_68 = vector.extract_strided_slice %select_n3A {offsets = [0, 1536], sizes = [32, 512], strides = [1, 1]} : vector<32x16384xf32> to vector<32x512xf32>
    %reduce_max3A_69 = arith.constant dense<0xFF800000> : vector<32xf32>
    %reduce_max3A_70 = vector.multi_reduction <maximumf>, %slice3A_68, %reduce_max3A_69 [1] : vector<32x512xf32> to vector<32xf32>
    %broadcast_in_dim3A_71 = vector.shape_cast %reduce_max3A_70 : vector<32xf32> to vector<32x1xf32>
    %slice3A_72 = vector.extract_strided_slice %select_n3A {offsets = [0, 2048], sizes = [32, 512], strides = [1, 1]} : vector<32x16384xf32> to vector<32x512xf32>
    %reduce_max3A_73 = arith.constant dense<0xFF800000> : vector<32xf32>
    %reduce_max3A_74 = vector.multi_reduction <maximumf>, %slice3A_72, %reduce_max3A_73 [1] : vector<32x512xf32> to vector<32xf32>
    %broadcast_in_dim3A_75 = vector.shape_cast %reduce_max3A_74 : vector<32xf32> to vector<32x1xf32>
    %slice3A_76 = vector.extract_strided_slice %select_n3A {offsets = [0, 2560], sizes = [32, 512], strides = [1, 1]} : vector<32x16384xf32> to vector<32x512xf32>
    %reduce_max3A_77 = arith.constant dense<0xFF800000> : vector<32xf32>
    %reduce_max3A_78 = vector.multi_reduction <maximumf>, %slice3A_76, %reduce_max3A_77 [1] : vector<32x512xf32> to vector<32xf32>
    %broadcast_in_dim3A_79 = vector.shape_cast %reduce_max3A_78 : vector<32xf32> to vector<32x1xf32>
    %slice3A_80 = vector.extract_strided_slice %select_n3A {offsets = [0, 3072], sizes = [32, 512], strides = [1, 1]} : vector<32x16384xf32> to vector<32x512xf32>
    %reduce_max3A_81 = arith.constant dense<0xFF800000> : vector<32xf32>
    %reduce_max3A_82 = vector.multi_reduction <maximumf>, %slice3A_80, %reduce_max3A_81 [1] : vector<32x512xf32> to vector<32xf32>
    %broadcast_in_dim3A_83 = vector.shape_cast %reduce_max3A_82 : vector<32xf32> to vector<32x1xf32>
    %slice3A_84 = vector.extract_strided_slice %select_n3A {offsets = [0, 3584], sizes = [32, 512], strides = [1, 1]} : vector<32x16384xf32> to vector<32x512xf32>
    %reduce_max3A_85 = arith.constant dense<0xFF800000> : vector<32xf32>
    %reduce_max3A_86 = vector.multi_reduction <maximumf>, %slice3A_84, %reduce_max3A_85 [1] : vector<32x512xf32> to vector<32xf32>
    %broadcast_in_dim3A_87 = vector.shape_cast %reduce_max3A_86 : vector<32xf32> to vector<32x1xf32>
    %slice3A_88 = vector.extract_strided_slice %select_n3A {offsets = [0, 4096], sizes = [32, 512], strides = [1, 1]} : vector<32x16384xf32> to vector<32x512xf32>
    %reduce_max3A_89 = arith.constant dense<0xFF800000> : vector<32xf32>
    %reduce_max3A_90 = vector.multi_reduction <maximumf>, %slice3A_88, %reduce_max3A_89 [1] : vector<32x512xf32> to vector<32xf32>
    %broadcast_in_dim3A_91 = vector.shape_cast %reduce_max3A_90 : vector<32xf32> to vector<32x1xf32>
    %slice3A_92 = vector.extract_strided_slice %select_n3A {offsets = [0, 4608], sizes = [32, 512], strides = [1, 1]} : vector<32x16384xf32> to vector<32x512xf32>
    %reduce_max3A_93 = arith.constant dense<0xFF800000> : vector<32xf32>
    %reduce_max3A_94 = vector.multi_reduction <maximumf>, %slice3A_92, %reduce_max3A_93 [1] : vector<32x512xf32> to vector<32xf32>
    %broadcast_in_dim3A_95 = vector.shape_cast %reduce_max3A_94 : vector<32xf32> to vector<32x1xf32>
    %slice3A_96 = vector.extract_strided_slice %select_n3A {offsets = [0, 5120], sizes = [32, 512], strides = [1, 1]} : vector<32x16384xf32> to vector<32x512xf32>
    %reduce_max3A_97 = arith.constant dense<0xFF800000> : vector<32xf32>
    %reduce_max3A_98 = vector.multi_reduction <maximumf>, %slice3A_96, %reduce_max3A_97 [1] : vector<32x512xf32> to vector<32xf32>
    %broadcast_in_dim3A_99 = vector.shape_cast %reduce_max3A_98 : vector<32xf32> to vector<32x1xf32>
    %slice3A_100 = vector.extract_strided_slice %select_n3A {offsets = [0, 5632], sizes = [32, 512], strides = [1, 1]} : vector<32x16384xf32> to vector<32x512xf32>
    %reduce_max3A_101 = arith.constant dense<0xFF800000> : vector<32xf32>
    %reduce_max3A_102 = vector.multi_reduction <maximumf>, %slice3A_100, %reduce_max3A_101 [1] : vector<32x512xf32> to vector<32xf32>
    %broadcast_in_dim3A_103 = vector.shape_cast %reduce_max3A_102 : vector<32xf32> to vector<32x1xf32>
    %slice3A_104 = vector.extract_strided_slice %select_n3A {offsets = [0, 6144], sizes = [32, 512], strides = [1, 1]} : vector<32x16384xf32> to vector<32x512xf32>
    %reduce_max3A_105 = arith.constant dense<0xFF800000> : vector<32xf32>
    %reduce_max3A_106 = vector.multi_reduction <maximumf>, %slice3A_104, %reduce_max3A_105 [1] : vector<32x512xf32> to vector<32xf32>
    %broadcast_in_dim3A_107 = vector.shape_cast %reduce_max3A_106 : vector<32xf32> to vector<32x1xf32>
    %slice3A_108 = vector.extract_strided_slice %select_n3A {offsets = [0, 6656], sizes = [32, 512], strides = [1, 1]} : vector<32x16384xf32> to vector<32x512xf32>
    %reduce_max3A_109 = arith.constant dense<0xFF800000> : vector<32xf32>
    %reduce_max3A_110 = vector.multi_reduction <maximumf>, %slice3A_108, %reduce_max3A_109 [1] : vector<32x512xf32> to vector<32xf32>
    %broadcast_in_dim3A_111 = vector.shape_cast %reduce_max3A_110 : vector<32xf32> to vector<32x1xf32>
    %slice3A_112 = vector.extract_strided_slice %select_n3A {offsets = [0, 7168], sizes = [32, 512], strides = [1, 1]} : vector<32x16384xf32> to vector<32x512xf32>
    %reduce_max3A_113 = arith.constant dense<0xFF800000> : vector<32xf32>
    %reduce_max3A_114 = vector.multi_reduction <maximumf>, %slice3A_112, %reduce_max3A_113 [1] : vector<32x512xf32> to vector<32xf32>
    %broadcast_in_dim3A_115 = vector.shape_cast %reduce_max3A_114 : vector<32xf32> to vector<32x1xf32>
    %slice3A_116 = vector.extract_strided_slice %select_n3A {offsets = [0, 7680], sizes = [32, 512], strides = [1, 1]} : vector<32x16384xf32> to vector<32x512xf32>
    %reduce_max3A_117 = arith.constant dense<0xFF800000> : vector<32xf32>
    %reduce_max3A_118 = vector.multi_reduction <maximumf>, %slice3A_116, %reduce_max3A_117 [1] : vector<32x512xf32> to vector<32xf32>
    %broadcast_in_dim3A_119 = vector.shape_cast %reduce_max3A_118 : vector<32xf32> to vector<32x1xf32>
    %slice3A_120 = vector.extract_strided_slice %select_n3A {offsets = [0, 8192], sizes = [32, 512], strides = [1, 1]} : vector<32x16384xf32> to vector<32x512xf32>
    %reduce_max3A_121 = arith.constant dense<0xFF800000> : vector<32xf32>
    %reduce_max3A_122 = vector.multi_reduction <maximumf>, %slice3A_120, %reduce_max3A_121 [1] : vector<32x512xf32> to vector<32xf32>
    %broadcast_in_dim3A_123 = vector.shape_cast %reduce_max3A_122 : vector<32xf32> to vector<32x1xf32>
    %slice3A_124 = vector.extract_strided_slice %select_n3A {offsets = [0, 8704], sizes = [32, 512], strides = [1, 1]} : vector<32x16384xf32> to vector<32x512xf32>
    %reduce_max3A_125 = arith.constant dense<0xFF800000> : vector<32xf32>
    %reduce_max3A_126 = vector.multi_reduction <maximumf>, %slice3A_124, %reduce_max3A_125 [1] : vector<32x512xf32> to vector<32xf32>
    %broadcast_in_dim3A_127 = vector.shape_cast %reduce_max3A_126 : vector<32xf32> to vector<32x1xf32>
    %slice3A_128 = vector.extract_strided_slice %select_n3A {offsets = [0, 9216], sizes = [32, 512], strides = [1, 1]} : vector<32x16384xf32> to vector<32x512xf32>
    %reduce_max3A_129 = arith.constant dense<0xFF800000> : vector<32xf32>
    %reduce_max3A_130 = vector.multi_reduction <maximumf>, %slice3A_128, %reduce_max3A_129 [1] : vector<32x512xf32> to vector<32xf32>
    %broadcast_in_dim3A_131 = vector.shape_cast %reduce_max3A_130 : vector<32xf32> to vector<32x1xf32>
    %slice3A_132 = vector.extract_strided_slice %select_n3A {offsets = [0, 9728], sizes = [32, 512], strides = [1, 1]} : vector<32x16384xf32> to vector<32x512xf32>
    %reduce_max3A_133 = arith.constant dense<0xFF800000> : vector<32xf32>
    %reduce_max3A_134 = vector.multi_reduction <maximumf>, %slice3A_132, %reduce_max3A_133 [1] : vector<32x512xf32> to vector<32xf32>
    %broadcast_in_dim3A_135 = vector.shape_cast %reduce_max3A_134 : vector<32xf32> to vector<32x1xf32>
    %slice3A_136 = vector.extract_strided_slice %select_n3A {offsets = [0, 10240], sizes = [32, 512], strides = [1, 1]} : vector<32x16384xf32> to vector<32x512xf32>
    %reduce_max3A_137 = arith.constant dense<0xFF800000> : vector<32xf32>
    %reduce_max3A_138 = vector.multi_reduction <maximumf>, %slice3A_136, %reduce_max3A_137 [1] : vector<32x512xf32> to vector<32xf32>
    %broadcast_in_dim3A_139 = vector.shape_cast %reduce_max3A_138 : vector<32xf32> to vector<32x1xf32>
    %slice3A_140 = vector.extract_strided_slice %select_n3A {offsets = [0, 10752], sizes = [32, 512], strides = [1, 1]} : vector<32x16384xf32> to vector<32x512xf32>
    %reduce_max3A_141 = arith.constant dense<0xFF800000> : vector<32xf32>
    %reduce_max3A_142 = vector.multi_reduction <maximumf>, %slice3A_140, %reduce_max3A_141 [1] : vector<32x512xf32> to vector<32xf32>
    %broadcast_in_dim3A_143 = vector.shape_cast %reduce_max3A_142 : vector<32xf32> to vector<32x1xf32>
    %slice3A_144 = vector.extract_strided_slice %select_n3A {offsets = [0, 11264], sizes = [32, 512], strides = [1, 1]} : vector<32x16384xf32> to vector<32x512xf32>
    %reduce_max3A_145 = arith.constant dense<0xFF800000> : vector<32xf32>
    %reduce_max3A_146 = vector.multi_reduction <maximumf>, %slice3A_144, %reduce_max3A_145 [1] : vector<32x512xf32> to vector<32xf32>
    %broadcast_in_dim3A_147 = vector.shape_cast %reduce_max3A_146 : vector<32xf32> to vector<32x1xf32>
    %slice3A_148 = vector.extract_strided_slice %select_n3A {offsets = [0, 11776], sizes = [32, 512], strides = [1, 1]} : vector<32x16384xf32> to vector<32x512xf32>
    %reduce_max3A_149 = arith.constant dense<0xFF800000> : vector<32xf32>
    %reduce_max3A_150 = vector.multi_reduction <maximumf>, %slice3A_148, %reduce_max3A_149 [1] : vector<32x512xf32> to vector<32xf32>
    %broadcast_in_dim3A_151 = vector.shape_cast %reduce_max3A_150 : vector<32xf32> to vector<32x1xf32>
    %slice3A_152 = vector.extract_strided_slice %select_n3A {offsets = [0, 12288], sizes = [32, 512], strides = [1, 1]} : vector<32x16384xf32> to vector<32x512xf32>
    %reduce_max3A_153 = arith.constant dense<0xFF800000> : vector<32xf32>
    %reduce_max3A_154 = vector.multi_reduction <maximumf>, %slice3A_152, %reduce_max3A_153 [1] : vector<32x512xf32> to vector<32xf32>
    %broadcast_in_dim3A_155 = vector.shape_cast %reduce_max3A_154 : vector<32xf32> to vector<32x1xf32>
    %slice3A_156 = vector.extract_strided_slice %select_n3A {offsets = [0, 12800], sizes = [32, 512], strides = [1, 1]} : vector<32x16384xf32> to vector<32x512xf32>
    %reduce_max3A_157 = arith.constant dense<0xFF800000> : vector<32xf32>
    %reduce_max3A_158 = vector.multi_reduction <maximumf>, %slice3A_156, %reduce_max3A_157 [1] : vector<32x512xf32> to vector<32xf32>
    %broadcast_in_dim3A_159 = vector.shape_cast %reduce_max3A_158 : vector<32xf32> to vector<32x1xf32>
    %slice3A_160 = vector.extract_strided_slice %select_n3A {offsets = [0, 13312], sizes = [32, 512], strides = [1, 1]} : vector<32x16384xf32> to vector<32x512xf32>
    %reduce_max3A_161 = arith.constant dense<0xFF800000> : vector<32xf32>
    %reduce_max3A_162 = vector.multi_reduction <maximumf>, %slice3A_160, %reduce_max3A_161 [1] : vector<32x512xf32> to vector<32xf32>
    %broadcast_in_dim3A_163 = vector.shape_cast %reduce_max3A_162 : vector<32xf32> to vector<32x1xf32>
    %slice3A_164 = vector.extract_strided_slice %select_n3A {offsets = [0, 13824], sizes = [32, 512], strides = [1, 1]} : vector<32x16384xf32> to vector<32x512xf32>
    %reduce_max3A_165 = arith.constant dense<0xFF800000> : vector<32xf32>
    %reduce_max3A_166 = vector.multi_reduction <maximumf>, %slice3A_164, %reduce_max3A_165 [1] : vector<32x512xf32> to vector<32xf32>
    %broadcast_in_dim3A_167 = vector.shape_cast %reduce_max3A_166 : vector<32xf32> to vector<32x1xf32>
    %slice3A_168 = vector.extract_strided_slice %select_n3A {offsets = [0, 14336], sizes = [32, 512], strides = [1, 1]} : vector<32x16384xf32> to vector<32x512xf32>
    %reduce_max3A_169 = arith.constant dense<0xFF800000> : vector<32xf32>
    %reduce_max3A_170 = vector.multi_reduction <maximumf>, %slice3A_168, %reduce_max3A_169 [1] : vector<32x512xf32> to vector<32xf32>
    %broadcast_in_dim3A_171 = vector.shape_cast %reduce_max3A_170 : vector<32xf32> to vector<32x1xf32>
    %slice3A_172 = vector.extract_strided_slice %select_n3A {offsets = [0, 14848], sizes = [32, 512], strides = [1, 1]} : vector<32x16384xf32> to vector<32x512xf32>
    %reduce_max3A_173 = arith.constant dense<0xFF800000> : vector<32xf32>
    %reduce_max3A_174 = vector.multi_reduction <maximumf>, %slice3A_172, %reduce_max3A_173 [1] : vector<32x512xf32> to vector<32xf32>
    %broadcast_in_dim3A_175 = vector.shape_cast %reduce_max3A_174 : vector<32xf32> to vector<32x1xf32>
    %slice3A_176 = vector.extract_strided_slice %select_n3A {offsets = [0, 15360], sizes = [32, 512], strides = [1, 1]} : vector<32x16384xf32> to vector<32x512xf32>
    %reduce_max3A_177 = arith.constant dense<0xFF800000> : vector<32xf32>
    %reduce_max3A_178 = vector.multi_reduction <maximumf>, %slice3A_176, %reduce_max3A_177 [1] : vector<32x512xf32> to vector<32xf32>
    %broadcast_in_dim3A_179 = vector.shape_cast %reduce_max3A_178 : vector<32xf32> to vector<32x1xf32>
    %slice3A_180 = vector.extract_strided_slice %select_n3A {offsets = [0, 15872], sizes = [32, 512], strides = [1, 1]} : vector<32x16384xf32> to vector<32x512xf32>
    %reduce_max3A_181 = arith.constant dense<0xFF800000> : vector<32xf32>
    %reduce_max3A_182 = vector.multi_reduction <maximumf>, %slice3A_180, %reduce_max3A_181 [1] : vector<32x512xf32> to vector<32xf32>
    %broadcast_in_dim3A_183 = vector.shape_cast %reduce_max3A_182 : vector<32xf32> to vector<32x1xf32>
    %concatenate3A = tpu.concatenate %broadcast_in_dim3A_59, %broadcast_in_dim3A_63, %broadcast_in_dim3A_67, %broadcast_in_dim3A_71, %broadcast_in_dim3A_75, %broadcast_in_dim3A_79, %broadcast_in_dim3A_83, %broadcast_in_dim3A_87, %broadcast_in_dim3A_91, %broadcast_in_dim3A_95, %broadcast_in_dim3A_99, %broadcast_in_dim3A_103, %broadcast_in_dim3A_107, %broadcast_in_dim3A_111, %broadcast_in_dim3A_115, %broadcast_in_dim3A_119, %broadcast_in_dim3A_123, %broadcast_in_dim3A_127, %broadcast_in_dim3A_131, %broadcast_in_dim3A_135, %broadcast_in_dim3A_139, %broadcast_in_dim3A_143, %broadcast_in_dim3A_147, %broadcast_in_dim3A_151, %broadcast_in_dim3A_155, %broadcast_in_dim3A_159, %broadcast_in_dim3A_163, %broadcast_in_dim3A_167, %broadcast_in_dim3A_171, %broadcast_in_dim3A_175, %broadcast_in_dim3A_179, %broadcast_in_dim3A_183 in 1 : vector<32x1xf32>, vector<32x1xf32>, vector<32x1xf32>, vector<32x1xf32>, vector<32x1xf32>, vector<32x1xf32>, vector<32x1xf32>, vector<32x1xf32>, vector<32x1xf32>, vector<32x1xf32>, vector<32x1xf32>, vector<32x1xf32>, vector<32x1xf32>, vector<32x1xf32>, vector<32x1xf32>, vector<32x1xf32>, vector<32x1xf32>, vector<32x1xf32>, vector<32x1xf32>, vector<32x1xf32>, vector<32x1xf32>, vector<32x1xf32>, vector<32x1xf32>, vector<32x1xf32>, vector<32x1xf32>, vector<32x1xf32>, vector<32x1xf32>, vector<32x1xf32>, vector<32x1xf32>, vector<32x1xf32>, vector<32x1xf32>, vector<32x1xf32> -> vector<32x32xf32>
    %swap3A_184 = arith.constant 0 : index
    %swap3A_185 = arith.constant 0 : index
    %swap3A_186 = arith.constant 0 : index
    %swap3A_187 = arith.constant 0 : index
    %swap3A_188 = vector.load %arg9[%swap3A_184, %swap3A_185, %swap3A_186, %swap3A_187] : memref<32x1x1x32xf32, #tpu.memory_space<vmem>>, vector<32x1x1x32xf32>
    %swap3A_189 = vector.shape_cast %swap3A_188 : vector<32x1x1x32xf32> to vector<32x32xf32>
    %swap3A_190 = vector.shape_cast %concatenate3A : vector<32x32xf32> to vector<32x1x1x32xf32>
    tpu.vector_store %arg9[%swap3A_184, %swap3A_185, %swap3A_186, %swap3A_187], %swap3A_190 {strides = array<i32>} : memref<32x1x1x32xf32, #tpu.memory_space<vmem>>, vector<32x1x1x32xf32>,
    return
  }
  func.func @transform_0(%arg0: i32) -> (i32, i32) {
    %c0_i32 = arith.constant 0 : i32
    %c0_i32_0 = arith.constant 0 : i32
    %c0_i32_1 = arith.constant 0 : i32
    return %c0_i32, %c0_i32_0 : i32, i32
  }
  func.func @transform_1(%arg0: i32) -> (i32, i32) {
    %c0_i32 = arith.constant 0 : i32
    %c0_i32_0 = arith.constant 0 : i32
    %c0_i32_1 = arith.constant 0 : i32
    return %c0_i32, %c0_i32_0 : i32, i32
  }
  func.func @transform_2(%arg0: i32) -> (i32, i32) {
    %c0_i32 = arith.constant 0 : i32
    %c0_i32_0 = arith.constant 0 : i32
    %c0_i32_1 = arith.constant 0 : i32
    return %c0_i32, %c0_i32_0 : i32, i32
  }
  func.func @transform_3(%arg0: i32) -> (i32, i32) {
    %c0_i32 = arith.constant 0 : i32
    %c0_i32_0 = arith.constant 0 : i32
    %c0_i32_1 = arith.constant 0 : i32
    return %c0_i32, %c0_i32_0 : i32, i32
  }
  func.func @transform_4(%arg0: i32) -> (i32, i32) {
    %c0_i32 = arith.constant 0 : i32
    %c0_i32_0 = arith.constant 0 : i32
    return %c0_i32, %arg0 : i32, i32
  }
  func.func @transform_5(%arg0: i32) -> (i32, i32, i32) {
    %c0_i32 = arith.constant 0 : i32
    %c0_i32_0 = arith.constant 0 : i32
    %c0_i32_1 = arith.constant 0 : i32
    return %arg0, %c0_i32, %c0_i32_0 : i32, i32, i32
  }
  func.func @transform_6(%arg0: i32) -> (i32, i32, i32) {
    %c0_i32 = arith.constant 0 : i32
    %c0_i32_0 = arith.constant 0 : i32
    %c0_i32_1 = arith.constant 0 : i32
    return %arg0, %c0_i32, %c0_i32_0 : i32, i32, i32
  }
  func.func @transform_7(%arg0: i32) -> (i32, i32) {
    %c0_i32 = arith.constant 0 : i32
    %c0_i32_0 = arith.constant 0 : i32
    return %c0_i32, %arg0 : i32, i32
  }
  func.func @transform_8(%arg0: i32) -> (i32, i32, i32, i32) {
    %c0_i32 = arith.constant 0 : i32
    %c0_i32_0 = arith.constant 0 : i32
    %c0_i32_1 = arith.constant 0 : i32
    %c0_i32_2 = arith.constant 0 : i32
    return %c0_i32, %arg0, %c0_i32_0, %c0_i32_1 : i32, i32, i32, i32
  }
}

module attributes {stable_mosaic.version = 14 : i64} {
  func.func @_ret_body(%arg0: memref<512x64xf32, #tpu.memory_space<vmem>>, %arg1: memref<64x64xf32, #tpu.memory_space<vmem>>, %arg2: memref<1x64xf32, #tpu.memory_space<vmem>>, %arg3: memref<512x64xf32, #tpu.memory_space<vmem>>) attributes {dimension_semantics = [], scalar_prefetch = 0 : i64, scratch_operands = 0 : i64, tpu.core_type = #tpu.core_type<tc>} {
    %get3A = arith.constant 0 : index
    %get3A_0 = arith.constant 0 : index
    %get3A_1 = vector.load %arg0[%get3A, %get3A_0] : memref<512x64xf32, #tpu.memory_space<vmem>>, vector<512x64xf32>
    %get3A_2 = arith.constant 0 : index
    %get3A_3 = arith.constant 0 : index
    %get3A_4 = vector.load %arg1[%get3A_2, %get3A_3] : memref<64x64xf32, #tpu.memory_space<vmem>>, vector<64x64xf32>
    %dot_general3A = arith.constant dense<0.000000e+00> : vector<512x64xf32>
    %dot_general3A_5 = tpu.matmul %get3A_1, %get3A_4, %dot_general3A {dimension_numbers = #tpu.dot_dimension_numbers<[1], [1], [0], [0], [0, 0, 1, 0], [], []>, transpose_lhs_hint = false} : vector<512x64xf32>, vector<64x64xf32>, vector<512x64xf32> -> vector<512x64xf32>
    %get3A_6 = arith.constant 0 : index
    %get3A_7 = arith.constant 0 : index
    %get3A_8 = vector.load %arg2[%get3A_6, %get3A_7] : memref<1x64xf32, #tpu.memory_space<vmem>>, vector<1x64xf32>
    %add3A = vector.broadcast %get3A_8 : vector<1x64xf32> to vector<512x64xf32>
    %add3A_9 = arith.addf %dot_general3A_5, %add3A : vector<512x64xf32>
    %swap3A = arith.constant 0 : index
    %swap3A_10 = arith.constant 0 : index
    %swap3A_11 = vector.load %arg3[%swap3A, %swap3A_10] : memref<512x64xf32, #tpu.memory_space<vmem>>, vector<512x64xf32>
    tpu.vector_store %arg3[%swap3A, %swap3A_10], %add3A_9 {strides = array<i32>} : memref<512x64xf32, #tpu.memory_space<vmem>>, vector<512x64xf32>,
    return
  }
}

</mosaic_0001>

<sc_bundles>
// kernel: kernel.5.cloned.1.call-start
scs
__scs_entry_jumppad:
0x0: {  	(pc) =	sbr.rel $0x88, $3  }
0x1: {  	(tag) =	ssettag $0x0;
	lr =	simm.s32 $0x1  }
0x2: {  	[smem:$0x3F9B] =	sst lr;
	_ =	strace $0xD0000000  }
0x3: {  	_ = 	snop  }
0x4: {  	_ = 	snop  }
0x5: {  	_ = 	snop  }
0x6: {  	_ = 	snop  }
0x7: {  	_ = 	snop  }
__scs_overlays_trampoline_lowered:
0x8: {  	[smem:$0x3FAA] =	sst s0  }
0x9: {  	[smem:$0x3FAB] =	sst s1  }
0xa: {  	[smem:$0x3FAC] =	sst s2  }
0xb: {  	[smem:$0x3FAD] =	sst s3  }
0xc: {  	[smem:$0x3FAE] =	sst s4  }
0xd: {  	[smem:$0x3FAF] =	sst s5  }
0xe: {  	[smem:$0x3FB0] =	sst s6  }
0xf: {  	[smem:$0x3FB1] =	sst s7  }
0x10: {  	[smem:$0x3FB2] =	sst s8  }
0x11: {  	[smem:$0x3FB3] =	sst s9;
	s0 =	simm.s32 @!p0 $0x0  }
0x12: {  	s1 =	sld [smem:$0x3F99];
	s0 =	simm.s32 @p0 $0x1  }
0x13: {  	[smem:$0x3FB4] =	sst s0;
	s0 =	simm.s32 @!p1 $0x0  }
0x14: {  	s2 =	sld [smem:$0x3F98];
	s0 =	simm.s32 @p1 $0x1  }
0x15: {  	[smem:$0x3FB5] =	sst s0;
	s0 =	simm.s32 @!p2 $0x0  }
0x16: {  	s3 =	sld [smem:$0x3FDB];
	s0 =	simm.s32 @p2 $0x1  }
0x17: {  	s4 =	simm.s32 $0x1BF5;
	[smem:$0x3FB7] =	sst s0  }
0x18: {  	s0 =	sld [smem:$0x3F9A];
	_ =	swait.ge [sflag:s4], $0x0  }
0x19: {  	s7 =	sld [smem:$0x3F9B]  }
0x1a: {  	s8 =	sadd.s32 $0xFFFFE003, lr  }
0x1b: {  	s9 =	sadd.s32 $0xFFFFFEF7, lr;
	s5 =	simm.s32 $0xFFFFFFFF;
	p2 =	slt.u32 s8, $0xFFFFF086  }
0x1c: {  	p1 =	slt.u32 s9, $0xF7A;
	s5 =	simm.s32 @!p2 $0x0  }
0x1d: {  	s5 =	simm.s32 @p1 $0x1;
	p0 =	seq.s32 s7, s2  }
0x1e: {  	s7 =	smul.u32 @!p0 $0xF7A, s2;
	p2 =	seq.s32 @!p0 s5, $0x0  }
0x1f: {  	s9 =	smul.u32 $0xF7A, s1;
	s8 =	simm.s32 @!p0 $0x1BF5;
	p2 =	por !p2, p0  }
0x20: {  	[sflag:s8] =	ssyncset.s32 @!p0 $0xFFFFF086;
	s6 =	sadd.s32 @!p0 s3, s7;
	s7 =	simm.s32 @!p0 $0x108  }
0x21: {  	s3 =	sadd.s32 s3, s9;
	s6 =	sadd.s32 @!p0 $0x88, s6;
	s7 =	simm.s32 @p2 $0x1082  }
0x22: {  	[simem:s7], [sflag:s8] =	dma.local @!p0 [hbm:s6], $0xF7A  }
0x23: {  	s9 =	sor.u32 $0xD0000000, s2;
	s6 =	simm.s32 $0x108;
	_ =	swait.ge @!p0 [sflag:s8], $0x0  }
0x24: {  	s3 =	sadd.s32 $0x88, s3;
	s6 =	simm.s32 @!p1 $0x1082;
	[sflag:s4] =	ssyncset.s32 $0xFFFFF086  }
0x25: {  	[simem:s6], [sflag:s4] =	dma.local [hbm:s3], $0xF7A  }
0x26: {  	[smem:$0x3F9B] =	sst s1;
	(tag) =	ssettag s2;
	_ =	strace s9  }
0x27: {  	s1 =	sld [smem:$0x3FAB]  }
0x28: {  	s2 =	sld [smem:$0x3FAC]  }
0x29: {  	s4 =	sld [smem:$0x3FAE]  }
0x2a: {  	p0 =	seq.s32 s5, $0x0;
	s5 =	sld [smem:$0x3FAF]  }
0x2b: {  	s6 =	sld [smem:$0x3FB0]  }
0x2c: {  	s7 =	sld [smem:$0x3FB1]  }
0x2d: {  	s3 =	simm.s32 $0x108;
	s8 =	sld [smem:$0x3FB2]  }
0x2e: {  	s3 =	simm.s32 @!p0 $0x1082;
	s9 =	sld [smem:$0x3FB3]  }
0x2f: {  	lr =	sadd.s32 s0, s3;
	s0 =	sld [smem:$0x3FAA]  }
0x30: {  	s3 =	sld [smem:$0x3FAD]  }
0x31: {  	[smem:$0x3FB6] =	sst s10  }
0x32: {  	s10 =	sld [smem:$0x3FB4];
	_ =	sdelay $0x3  }
0x33: {  	p0 =	seq.s32 s10, $0x1;
	s10 =	sld [smem:$0x3FB6];
	_ =	sdelay $0x3  }
0x34: {  	[smem:$0x3FB6] =	sst s10  }
0x35: {  	s10 =	sld [smem:$0x3FB5];
	_ =	sdelay $0x3  }
0x36: {  	p1 =	seq.s32 s10, $0x1;
	s10 =	sld [smem:$0x3FB6];
	_ =	sdelay $0x3  }
0x37: {  	[smem:$0x3FB6] =	sst s10  }
0x38: {  	s10 =	sld [smem:$0x3FB7]  }
0x39: {  	_ = 	snop;
	(pc) =	sbr.ind lr, $3  }
0x3a: {  	_ = 	snop  }
0x3b: {  	_ = 	snop  }
0x3c: {  	p2 =	seq.s32 s10, $0x1;
	s10 =	sld [smem:$0x3FB6]  }
0x3d: {  	_ =	shalt  }
0x3e: {  	_ =	shalt  }
0x3f: {  	_ =	shalt  }
0x40: {  	_ =	shalt  }
0x41: {  	_ =	shalt  }
0x42: {  	_ =	shalt  }
0x43: {  	_ =	shalt  }
0x44: {  	_ =	shalt  }
0x45: {  	_ =	shalt  }
0x46: {  	_ =	shalt  }
0x47: {  	_ =	shalt  }
0x48: {  	_ =	shalt  }
0x49: {  	_ =	shalt  }
0x4a: {  	_ =	shalt  }
0x4b: {  	_ =	shalt  }
0x4c: {  	_ =	shalt  }
0x4d: {  	_ =	shalt  }
0x4e: {  	_ =	shalt  }
0x4f: {  	_ =	shalt  }
0x50: {  	_ =	shalt  }
0x51: {  	_ =	shalt  }
0x52: {  	_ =	shalt  }
0x53: {  	_ =	shalt  }
0x54: {  	_ =	shalt  }
0x55: {  	_ =	shalt  }
0x56: {  	_ =	shalt  }
0x57: {  	_ =	shalt  }
0x58: {  	_ =	shalt  }
0x59: {  	_ =	shalt  }
0x5a: {  	_ =	shalt  }
0x5b: {  	_ =	shalt  }
0x5c: {  	_ =	shalt  }
0x5d: {  	_ =	shalt  }
0x5e: {  	_ =	shalt  }
0x5f: {  	_ =	shalt  }
0x60: {  	_ =	shalt  }
0x61: {  	_ =	shalt  }
0x62: {  	_ =	shalt  }
0x63: {  	_ =	shalt  }
0x64: {  	_ =	shalt  }
0x65: {  	_ =	shalt  }
0x66: {  	_ =	shalt  }
0x67: {  	_ =	shalt  }
0x68: {  	_ =	shalt  }
0x69: {  	_ =	shalt  }
0x6a: {  	_ =	shalt  }
0x6b: {  	_ =	shalt  }
0x6c: {  	_ =	shalt  }
0x6d: {  	_ =	shalt  }
0x6e: {  	_ =	shalt  }
0x6f: {  	_ =	shalt  }
0x70: {  	_ =	shalt  }
0x71: {  	_ =	shalt  }
0x72: {  	_ =	shalt  }
0x73: {  	_ =	shalt  }
0x74: {  	_ =	shalt  }
0x75: {  	_ =	shalt  }
0x76: {  	_ =	shalt  }
0x77: {  	_ =	shalt  }
0x78: {  	_ =	shalt  }
0x79: {  	_ =	shalt  }
0x7a: {  	_ =	shalt  }
0x7b: {  	_ =	shalt  }
0x7c: {  	_ =	shalt  }
0x7d: {  	_ =	shalt  }
0x7e: {  	_ =	shalt  }
0x7f: {  	_ =	shalt  }
0x80: {  	_ =	shalt  }
0x81: {  	_ =	shalt  }
0x82: {  	_ =	shalt  }
0x83: {  	_ =	shalt  }
0x84: {  	_ =	shalt  }
0x85: {  	_ =	shalt  }
0x86: {  	_ =	shalt  }
0x87: {  	_ =	shalt  }
.Lfunc_end0:
.L_simem_size_0:
called_computation.1_lowered:
.L_overlay_start_0:
0x88: {  	s2 =	sld [smem:$0x3FD9]  }
0x89: {  	s3 =	sld [smem:$0x3FFE];
	_ =	sdelay $0x1  }
0x8a: {  	s1 =	srdreg.scid  }
0x8b: {  	s0 =	sand.u32 $0x1, s1  }
0x8c: {  	s14 =	sshll.u32 s0, $0xA;
	s2 =	sadd.s32 s3, s2  }
0x8d: {  	s2 =	sadd.s32 s2, s14  }
0x8e: {  	[smem:$0x3FC2] =	sst s2  }
0x8f: {  	_ = 	snop  }
0x90: {  	s2 =	sld [smem:$0x3FD0];
	_ =	sdelay $0x2  }
0x91: {  	s15 =	simm.s32 $0xA;
	s4 =	simm.s32 $0x10  }
0x92: {  	[smem:s4], [sflag:s15] =	dma.local [hbm:s2], $0x1  }
0x93: {  	_ =	swait.eq [sflag:s15], $0x1  }
0x94: {  	s16 =	sld [smem:$0x10];
	[sflag:s15] =	ssyncset.done $0x0  }
0x95: {  	s17 =	sld [smem:$0x11];
	[sflag:s15] =	ssyncadd.s32 $0xFFFFFFFF  }
0x96: {  	s18 =	sld [smem:$0x12];
	(tm) =	ssettm $0x1  }
0x97: {  	s5 =	sld [smem:$0x3FFB];
	_ =	sdelay $0x3  }
0x98: {  	_ =	strace s5  }
0x99: {  	s5 =	sld [smem:$0x3FFC];
	_ =	sdelay $0x3  }
0x9a: {  	_ =	strace s5  }
0x9b: {  	s5 =	sld [smem:$0x3FFD];
	_ =	sdelay $0x3  }
0x9c: {  	_ =	strace s5  }
0x9d: {  	_ =	strace $0x8FFFFFFF  }
0x9e: {  	s19 =	sld [smem:$0x3FDB];
	_ =	sdelay $0x1  }
0x9f: {  	s6 =	simm.s32 $_scs_section_size  }
0xa0: {  	s7 =	simm.s32 $_size__tile_overlayer_lowered;
	s8 =	simm.s32 $_tile_overlayer_lowered  }
0xa1: {  	s22 =	simm.s32 $0x1BFF;
	s21 =	sshll.u32 s8, $0x1;
	s5 =	sadd.s32 s6, s19  }
0xa2: {  	s9 =	simm.s32 $0x0;
	s20 =	sshll.u32 s7, $0x1;
	s7 =	sadd.s32 s21, s5  }
0xa3: {  	[timem:s9], [sflag:s22] =	dma.local [hbm:s7], s20  }
0xa4: {  	_ =	swait.ge [sflag:s22], s20  }
0xa5: {  	s6 =	ssub.s32 $0x0, s20;
	[sflag:s22] =	ssyncset.done $0x0  }
0xa6: {  	[sflag:s22] =	ssyncadd.s32 s6;
	_ =	sdelay $0x1  }
0xa7: {  	s23 =	simm.s32 $0x1B8B  }
0xa8: {  	_ =	swait.ge [sflag:s23], $0x1  }
0xa9: {  	[sflag:s23] =	ssyncset.done $0x0  }
0xaa: {  	s25 =	simm.s32 $0x1B8E;
	s24 =	sld [smem:$0x3FFE];
	[sflag:s23] =	ssyncadd.s32 $0xFFFFFFFF  }
0xab: {  	s26 =	simm.s32 $execute0_lowered;
	[smem:$0x3FD2] =	sst s25  }
0xac: {  	s7 =	sshll.u32 s26, $0x1;
	_ =	strace $0x80000049;
	[dreg:$0x1] =	wrdreg $0xFFFFFFFF  }
0xad: {  	s28 =	simm.s32 $_size_execute0_lowered;
	s5 =	sadd.s32 s5, s7;
	[dreg:$0x0] =	wrdreg $0x0  }
0xae: {  	s7 =	sshll.u32 s28, $0x1;
	[dreg:$0x2] =	wrdreg s5  }
0xaf: {  	[dreg:$0x3] =	wrdreg s7  }
0xb0: {  	[dreg:$0x4] =	wrdreg $0xC0  }
0xb1: {  	_ =	task [dreg:s9], $0x5FFFF  }
0xb2: {  	[dreg:$0x1] =	wrdreg $0xFFFFFFFF  }
0xb3: {  	[dreg:$0x0] =	wrdreg $0x60  }
0xb4: {  	[dreg:$0x2] =	wrdreg s18  }
0xb5: {  	[dreg:$0x3] =	wrdreg s24  }
0xb6: {  	[dreg:$0x4] =	wrdreg s16  }
0xb7: {  	[dreg:$0x5] =	wrdreg s17  }
0xb8: {  	[dreg:$0x6] =	wrdreg $0x9  }
0xb9: {  	_ =	task.clear_ibuf [dreg:s9], $0x7FFFF;
	_ =	strace $0x90000049  }
0xba: {  	s29 =	simm.s32 $0x9;
	_ =	strace $0x8000004B  }
0xbb: {  	_ =	swait.ge [sflag:s29], $0x1  }
0xbc: {  	[sflag:s29] =	ssyncadd.s32 $0xFFFFFFFF  }
0xbd: {  	_ =	strace $0x9000004B  }
0xbe: {  	_ =	sfence  }
0xbf: {  	s30 =	sld [smem:$0x0];
	_ =	sdelay $0x2  }
0xc0: {  	s31 =	sshll.u32 s1, $0xD;
	s1 =	sshrl.u32 s1, $0x2  }
0xc1: {  	s3 =	sand.u32 $0x4000, s31;
	s1 =	sadd.s32 s1, s30  }
0xc2: {  	s0 =	sor.u32 s3, s0;
	s1 =	sshll.u32 s1, $0x11  }
0xc3: {  	s0 =	sor.u32 s1, s0  }
0xc4: {  	s0 =	sadd.s32 $0x8F2B, s0  }
0xc5: {  	[sflag:s0] =	ssyncadd.remote.s32 $0x1  }
0xc6: {  	_ =	sfence.sel $0xFFFF  }
0xc7: {  	[dreg:$0x0] =	wrdreg $0xFFFFFFFF;
	(pc) =	sbr.abs _section_cstart, $3  }
0xc8: {  	[dreg:$0x1] =	wrdreg $0xFFFFFFFF  }
0xc9: {  	_ =	task.clear_ibuf [dreg:s9], $0x2FFFF;
	_ =	strace $0x9FFFFFFF  }
0xca: {  	(tm) =	ssettm $0x7FFFFFFF  }
0xcb: {  	_ =	shalt  }
tec
execute0_lowered:
.L_overlay_start_1:
0x0: {  	(tag) =	ssettag $0x1  }
0x1: {  	s4 =	rddreg [dreg:$0x0]  }
0x2: {  	s3 =	rddreg [dreg:$0x1]  }
0x3: {  	s5 =	rddreg [dreg:$0x2];
	s1 =	srdreg.scid  }
0x4: {  	s0 =	stileid.u32;
	s6 =	rddreg [dreg:$0x3]  }
0x5: {  	s2 =	simm.s32 $0x0;
	s11 =	simm.s32 $0x7E0;
	s12 =	simm.s32 $0x1  }
0x6: {  	s13 =	simm.s32 $0x7C0;
	s15 =	simm.s32 $0x27F0;
	s16 =	simm.s32 $0x0  }
0x7: {  	s7 =	sand.u32 $0x1, s1;
	s8 =	sshll.u32 s0, $0x1;
	s1 =	rddreg [dreg:$0x4]  }
0x8: {  	[smem:$0x7FF] =	sst s2;
	s8 =	sor.u32 s7, s8;
	s7 =	ssub.s32 $0x2, s7  }
0x9: {  	s3 =	sadd.s32 $0x3E9200, s3;
	_ =	strace $0x8000004A;
	s9 =	sshrl.u32 s7, $0x1  }
0xa: {  	s14 =	smul.u32 $0x7C0, s8;
	s8 =	sshll.u32 s8, $0x1;
	s7 =	ssub.s32 s7, s9  }
0xb: {  	s5 =	sadd.s32 s5, s8;
	s6 =	sadd.s32 s6, s8;
	s8 =	simm.s32 $0x2  }
0xc: {  	v0 =	vlaneseq.u32;
	s9 =	simm.s32 $0x10;
	s10 =	sshrl.u32 s14, $0x3;
	s7 =	smax.u32 s7, $0x1  }
0xd: {  	v2 =	vimm.s32 $0x0;
	v3 =	vand.u32 $0x7, v0;
	v1 =	vmov s14;
	s14 =	simm.s32 $0x27E0;
	s4 =	sadd.s32 s4, s10;
	s10 =	simm.s32 $0x7D0  }
.LBB2_1:
0xe: {  	[tilespmem:s2], [sflag:$0x2] =	stream.linear.gather [hbm4b:s4+s2], $0x7C0, $0x38;
	[tilespmem:$0x2800] =	vst v63  }
0xf: {  	_ =	swait.ge [sflag:s8], $0x7C0  }
0x10: {  	[sflag:s8] =	ssyncset.done $0x0  }
0x11: {  	[sflag:s8] =	ssyncadd.s32 $0xFFFFF840  }
0x12: {  	v4 =	vld [tilespmem:s2+$0x0];
	_ =	sdelay $0x3  }
0x13: {  	v5 =	vor.u32 s2, v0  }
0x14: {  	(xrf1) =	vsort.ascd.msk.f32 $0xffff, v4, v5;
	_ =	sdelay $0x9  }
0x15: {  	s17 =	simm.s32 $0x10  }
0x16: {  	v4 =	vld [tilespmem:s17+$0x0];
	_ =	sdelay $0x2  }
0x17: {  	v5 =	vimm.f32 $-Inf;
	v6, v7, _ =	vpop (xrf1)  }
0x18: {  	v8 =	vor.u32 s17, v0;
	vm0 =	vgt.f32 v6, v5  }
0x19: {  	(xrf1) =	vsort.ascd.msk.f32 $0xffff, v4, v8;
	v4 =	vsel vm0, v6, v5;
	v5 =	vsel vm0, v7, v2  }
0x1a: {  	(xrf1) =	vsort.dscd.msk.f32 $0xffff, v4, v5;
	_ =	sdelay $0x9  }
0x1b: {  	s17 =	simm.s32 $0x20  }
0x1c: {  	v4 =	vld [tilespmem:s17+$0x0]  }
0x1d: {  	s18 =	simm.s32 $0x30;
	s19 =	simm.s32 $0x20  }
.LBB2_2:
0x1e: {  	p0 =	sne.s32 s18, $0x7B0;
	v5, v6, _ =	vpop (xrf1)  }
0x1f: {  	v7, v8, _ =	vpop (xrf1)  }
0x20: {  	v9 =	vor.u32 s17, v0;
	s17 =	smov.u32 s18;
	vm0 =	vgt.f32 v5, v7  }
0x21: {  	(xrf1) =	vsort.ascd.msk.f32 $0xffff, v4, v9;
	v4 =	vsel vm0, v5, v7;
	v5 =	vsel vm0, v6, v8  }
0x22: {  	(xrf1) =	vsort.dscd.msk.f32 $0xffff, v4, v5;
	_ =	sdelay $0x7  }
.Ltmp0:
0x23: {  	(pc) =	sbr.rel @p0 .LBB2_2-.Ltmp0, $4  }
0x24: {  	_ = 	snop  }
0x25: {  	s19 =	sadd.s32 $0x10, s19  }
0x26: {  	v4 =	vld [tilespmem:s19+$0x0]  }
0x27: {  	s18 =	sadd.s32 $0x10, s18  }
0x28: {  	v5, v6, _ =	vpop (xrf1)  }
0x29: {  	v7, v8, _ =	vpop (xrf1)  }
0x2a: {  	v9 =	vor.u32 s17, v0;
	vm0 =	vgt.f32 v5, v7  }
0x2b: {  	(xrf1) =	vsort.ascd.msk.f32 $0xffff, v4, v9;
	v4 =	vsel vm0, v5, v7;
	v5 =	vsel vm0, v6, v8  }
0x2c: {  	(xrf1) =	vsort.dscd.msk.f32 $0xffff, v4, v5;
	_ =	sdelay $0xc  }
0x2d: {  	v4, v5, _ =	vpop (xrf1)  }
0x2e: {  	v6, v7, _ =	vpop (xrf1)  }
0x2f: {  	vm9 =	vgt.f32 v4, v6  }
0x30: {  	v4 =	vsel vm9, v4, v6;
	v5 =	vsel vm9, v5, v7  }
0x31: {  	(xrf1) =	vsort.dscd.msk.f32 $0xffff, v4, v5;
	_ =	sdelay $0x3  }
0x32: {  	s30 =	simm.s32 $0x0  }
0x33: {  	v4 =	vor.u32 s30, v0  }
0x34: {  	v5 =	vmov s30;
	v6 =	vand.u32 $0x1FF, v4  }
0x35: {  	vm10 =	veq.s32 v5, v0;
	vm1 =	vne.s32 v6, $0x0  }
0x36: {  	vm0 =	vmand vm10, vm1  }
0x37: {  	v5 =	vsel vm0, $0xFFFFFFFF, v2  }
0x38: {  	v5 =	vshll.u32 v5, $0x9  }
0x39: {  	v5 =	vadd.s32 s30, v5  }
0x3a: {  	v5 =	vand.u32 $0xFFFFFE00, v5  }
0x3b: {  	v6 =	vsub.s32 v4, v5  }
0x3c: {  	v6 =	vand.u32 $0xFFFFFFF8, v6;
	v7, v8, _ =	vpop (xrf1)  }
0x3d: {  	v5 =	vadd.s32 v5, v6;
	[tilespmem:$0x7C0] =	vst v8;
	v7 =	vadd.s32 v1, v8  }
0x3e: {  	v5 =	vor.u32 v3, v5;
	[tilespmem:$0x7D0] =	vst v7  }
0x3f: {  	[tilespmem:s11], [sflag:$0x1] =	stream.indirect.gather [hbm4b:s3+s9], $0x200, s10, s9, $0xb8;
	[tilespmem:$0x2800] =	vst v63  }
0x40: {  	_ =	swait.ge [sflag:s12], $0x2000  }
0x41: {  	[sflag:s12] =	ssyncset.done $0x0  }
0x42: {  	s31 =	simm.s32 $0x10;
	[sflag:s12] =	ssyncadd.s32 $0xFFFFE000  }
0x43: {  	v6 =	vor.u32 s31, v0;
	v5 =	vld.idx.msk [tilespmem:v5+s11+$0x0], $0xffff  }
0x44: {  	v8 =	vand.u32 $0x1FF, v6;
	v7 =	vmov s31  }
0x45: {  	vm12 =	vne.s32 v8, $0x0;
	vm11 =	veq.s32 v7, v0  }
0x46: {  	vm0 =	vmand vm11, vm12  }
0x47: {  	v7 =	vsel vm0, $0xFFFFFFFF, v2  }
0x48: {  	v7 =	vshll.u32 v7, $0x9;
	(xrf1) =	vsort.ascd.msk.f32 $0xffff, v5, v4  }
0x49: {  	v5 =	vadd.s32 s31, v7  }
0x4a: {  	s18 =	simm.s32 $0x20;
	v5 =	vand.u32 $0xFFFFFE00, v5  }
0x4b: {  	v7 =	vmov s18;
	v9 =	vsub.s32 v6, v5  }
0x4c: {  	v4 =	vor.u32 s18, v0;
	vm13 =	veq.s32 v7, v0;
	v7 =	vand.u32 $0xFFFFFFF8, v9  }
0x4d: {  	v8 =	vand.u32 $0x1FF, v4;
	v5 =	vadd.s32 v5, v7  }
0x4e: {  	vm14 =	vne.s32 v8, $0x0;
	v5 =	vor.u32 v3, v5  }
0x4f: {  	vm0 =	vmand vm13, vm14  }
0x50: {  	v7 =	vsel vm0, $0xFFFFFFFF, v2  }
0x51: {  	v7 =	vshll.u32 v7, $0x9  }
0x52: {  	v7 =	vadd.s32 s18, v7  }
0x53: {  	v7 =	vand.u32 $0xFFFFFE00, v7;
	v5 =	vld.idx.msk [tilespmem:v5+s11+$0x0], $0xffff  }
0x54: {  	v8 =	vsub.s32 v4, v7  }
0x55: {  	v8 =	vand.u32 $0xFFFFFFF8, v8  }
0x56: {  	v7 =	vadd.s32 v7, v8;
	v8 =	vimm.f32 $-Inf;
	v9, v10, _ =	vpop (xrf1)  }
0x57: {  	v11 =	vimm.s32 $0x0;
	vm15 =	vgt.f32 v9, v8  }
0x58: {  	(xrf1) =	vsort.ascd.msk.f32 $0xffff, v5, v6;
	v6 =	vsel vm15, v9, v8;
	v8 =	vsel vm15, v10, v11  }
0x59: {  	(xrf1) =	vsort.dscd.msk.f32 $0xffff, v6, v8;
	_ =	sdelay $0x5  }
0x5a: {  	v7 =	vor.u32 v3, v7;
	_ =	sdelay $0x3  }
0x5b: {  	s17 =	simm.s32 $0x30  }
0x5c: {  	v5 =	vor.u32 s17, v0;
	v6 =	vld.idx.msk [tilespmem:v7+s11+$0x0], $0xffff  }
0x5d: {  	s18 =	simm.s32 $0x40;
	v7 =	vmov s17;
	v8 =	vand.u32 $0x1FF, v5  }
.LBB2_4:
0x5e: {  	p0 =	sne.s32 s18, $0x1FF0;
	vm0 =	veq.s32 v7, v0;
	vm1 =	vne.s32 v8, $0x0;
	v7, v8, _ =	vpop (xrf1)  }
0x5f: {  	vm0 =	vmand vm0, vm1;
	v9, v10, _ =	vpop (xrf1)  }
0x60: {  	v11 =	vsel vm0, $0xFFFFFFFF, v2;
	vm0 =	vgt.f32 v7, v9  }
0x61: {  	v11 =	vshll.u32 v11, $0x9;
	(xrf1) =	vsort.ascd.msk.f32 $0xffff, v6, v4;
	v9 =	vsel vm0, v7, v9;
	v6 =	vsel vm0, v8, v10  }
0x62: {  	v4 =	vmov v5;
	v7 =	vadd.s32 s17, v11;
	(xrf1) =	vsort.dscd.msk.f32 $0xffff, v9, v6;
	s17 =	smov.u32 s18  }
0x63: {  	v5 =	vand.u32 $0xFFFFFE00, v7  }
0x64: {  	v6 =	vsub.s32 v4, v5  }
0x65: {  	v6 =	vand.u32 $0xFFFFFFF8, v6  }
0x66: {  	v5 =	vadd.s32 v5, v6  }
0x67: {  	v5 =	vor.u32 v3, v5;
	_ =	sdelay $0x2  }
.Ltmp1:
0x68: {  	(pc) =	sbr.rel @p0 .LBB2_4-.Ltmp1, $4  }
0x69: {  	_ = 	snop  }
0x6a: {  	v6 =	vld.idx.msk [tilespmem:v5+s11+$0x0], $0xffff  }
0x6b: {  	v5 =	vor.u32 s18, v0  }
0x6c: {  	v7 =	vmov s17;
	s18 =	sadd.s32 $0x10, s18;
	v8 =	vand.u32 $0x1FF, v5  }
0x6d: {  	v9, v10, _ =	vpop (xrf1)  }
0x6e: {  	vm0 =	veq.s32 v7, v0;
	vm1 =	vne.s32 v8, $0x0;
	v49, v50, _ =	vpop (xrf1)  }
0x6f: {  	vm0 =	vmand vm0, vm1;
	vm11 =	vgt.f32 v9, v49  }
0x70: {  	v11 =	vsel vm0, $0xFFFFFFFF, v2;
	(xrf1) =	vsort.ascd.msk.f32 $0xffff, v6, v4;
	v4 =	vsel vm11, v9, v49;
	v51 =	vsel vm11, v10, v50  }
0x71: {  	v52 =	vshll.u32 v11, $0x9;
	(xrf1) =	vsort.dscd.msk.f32 $0xffff, v4, v51  }
0x72: {  	v4 =	vadd.s32 s17, v52  }
0x73: {  	v4 =	vand.u32 $0xFFFFFE00, v4  }
0x74: {  	v53 =	vsub.s32 v5, v4  }
0x75: {  	v6 =	vand.u32 $0xFFFFFFF8, v53  }
0x76: {  	v4 =	vadd.s32 v4, v6  }
0x77: {  	v4 =	vor.u32 v3, v4;
	_ =	sdelay $0x4  }
0x78: {  	v4 =	vld.idx.msk [tilespmem:v4+s11+$0x0], $0xffff;
	_ =	sdelay $0x1  }
0x79: {  	v55, v54, _ =	vpop (xrf1)  }
0x7a: {  	v57, v56, _ =	vpop (xrf1)  }
0x7b: {  	vm12 =	vgt.f32 v55, v57  }
0x7c: {  	(xrf1) =	vsort.ascd.msk.f32 $0xffff, v4, v5;
	v4 =	vsel vm12, v55, v57;
	v5 =	vsel vm12, v54, v56  }
0x7d: {  	(xrf1) =	vsort.dscd.msk.f32 $0xffff, v4, v5;
	_ =	sdelay $0xc  }
0x7e: {  	v4, v5, _ =	vpop (xrf1)  }
0x7f: {  	v58, v59, _ =	vpop (xrf1)  }
0x80: {  	vm13 =	vgt.f32 v4, v58  }
0x81: {  	v4 =	vsel vm13, v4, v58;
	v5 =	vsel vm13, v5, v59  }
0x82: {  	(xrf1) =	vsort.dscd.msk.f32 $0xffff, v4, v5;
	_ =	sdelay $0xd  }
0x83: {  	v4, v5, _ =	vpop (xrf1)  }
0x84: {  	v60 =	vshra.s32 v5, $0x1F;
	v61 =	vand.u32 $0x1FF, v5  }
0x85: {  	vm14 =	vlt.s32 v5, $0x1;
	v6 =	vshrl.u32 v60, $0x17;
	vm15 =	vne.s32 v61, $0x0  }
0x86: {  	v6 =	vadd.s32 v6, v5;
	vm0 =	vmand vm14, vm15  }
0x87: {  	v6 =	vshra.s32 v6, $0x9;
	v62 =	vsel vm0, $0xFFFFFFFF, v2  }
0x88: {  	v6 =	vadd.s32 v62, v6;
	_ =	sdelay $0x4  }
0x89: {  	v7 =	vld.idx.msk [tilespmem:v6+s13+$0x0], $0xffff;
	_ =	sdelay $0x3  }
0x8a: {  	v6 =	vshll.u32 v6, $0x9  }
0x8b: {  	v5 =	vsub.s32 v5, v6;
	v63 =	vshll.u32 v7, $0x9  }
0x8c: {  	[tilespmem:$0x27E0] =	vst v4;
	v5 =	vadd.s32 v63, v5  }
0x8d: {  	[tilespmem:$0x27F0] =	vst v5  }
0x8e: {  	[hbm4b:s5+s2] =	stream.linear.scatter [tilespmem:s14], [sflag:$0x2], $0x10, $0x38;
	[tilespmem:$0x2800] =	vst v63  }
0x8f: {  	s16 =	sadd.s32 $0x1, s16;
	_ =	swait.ge [sflag:s8], $0x10  }
0x90: {  	p0 =	sne.s32 s16, s7;
	[sflag:s8] =	ssyncset.done $0x0  }
.Ltmp2:
0x91: {  	[sflag:s8] =	ssyncadd.s32 $0xFFFFFFF0;
	(pc) =	sbr.rel @p0 .LBB2_1-.Ltmp2, $4  }
0x92: {  	[hbm4b:s6+s2] =	stream.linear.scatter [tilespmem:s15], [sflag:$0x2], $0x10, $0x38;
	[tilespmem:$0x2800] =	vst v63  }
0x93: {  	_ =	swait.ge [sflag:s8], $0x10  }
0x94: {  	[sflag:s8] =	ssyncset.done $0x0  }
0x95: {  	[sflag:s8] =	ssyncadd.s32 $0xFFFFFFF0  }
0x96: {  	_ =	sfence.sel $0x180000  }
0x97: {  	[bflag:$0x0] =	sbarrier.arrive $0xFFFF  }
0x98: {  	p0 =	sne.s32 s0, $0x0;
	_ =	strace $0x9000004A  }
0x99: {  	s0 =	sadd.s32 @!p0 $0x100000, s1;
	[bflag:$0x2] =	sbarrier.arrive $0xFFFF  }
0x9a: {  	[sflag:s0] =	ssyncadd.tile.s32 @!p0 $0x1;
	_ =	shalt  }
.Lfunc_end2:
_tile_overlayer_lowered:
.L_overlay_start_2:
0x9b: {  	(tag) =	ssettag $0x2  }
0x9c: {  	s0 =	rddreg [dreg:$0x0];
	s2 =	stileid.u32  }
0x9d: {  	s1 =	rddreg [dreg:$0x1];
	p0 =	sne.s32 s2, $0x0  }
0x9e: {  	s3 =	rddreg [dreg:$0x2];
	[bflag:$0x3] =	sbarrier.arrive $0xFFFF;
	s2 =	simm.s32 @!p0 $0x1C02  }
0x9f: {  	[timem:s3], [sflag:s2] =	dma.local @!p0 [hbm:s0], s1  }
0xa0: {  	s0 =	simm.s32 @!p0 $0x2  }
0xa1: {  	_ =	swait.ge @!p0 [sflag:s0], s1  }
0xa2: {  	s1 =	ssub.s32 @!p0 $0x0, s1;
	[sflag:s0] =	ssyncset.done @!p0 $0x0  }
0xa3: {  	[sflag:s0] =	ssyncadd.s32 @!p0 s1  }
0xa4: {  	[bflag:$0x3] =	sbarrier.arrive $0xFFFF  }
0xa5: {  	_ =	shalt  }

// kernel: sparse-core-data-format-call.cloned.1.call-start
scs
called_computation_lowered:
.L_overlay_start_0:
0x0: {  	s1 =	sld [smem:$0x3FD9]  }
0x1: {  	s2 =	sld [smem:$0x3FFE];
	_ =	sdelay $0x1  }
0x2: {  	s3 =	srdreg.scid  }
0x3: {  	s0 =	sand.u32 $0x1, s3  }
0x4: {  	s17 =	sshll.u32 s0, $0xA;
	s1 =	sadd.s32 s2, s1  }
0x5: {  	s1 =	sadd.s32 s1, s17  }
0x6: {  	[smem:$0x3FC2] =	sst s1  }
0x7: {  	_ = 	snop  }
0x8: {  	(tm) =	ssettm $0x1  }
0x9: {  	s18 =	sld [smem:$0x3FFB];
	_ =	sdelay $0x3  }
0xa: {  	_ =	strace s18  }
0xb: {  	s1 =	sld [smem:$0x3FFC];
	_ =	sdelay $0x3  }
0xc: {  	_ =	strace s1  }
0xd: {  	s1 =	sld [smem:$0x3FFD];
	_ =	sdelay $0x3  }
0xe: {  	_ =	strace s1  }
0xf: {  	_ =	strace $0x8FFFFFFF  }
0x10: {  	s19 =	sld [smem:$0x3FDB];
	_ =	sdelay $0x1  }
0x11: {  	s20 =	simm.s32 $_scs_section_size  }
0x12: {  	s4 =	simm.s32 $_size__tile_overlayer_lowered;
	s5 =	simm.s32 $_tile_overlayer_lowered  }
0x13: {  	s23 =	simm.s32 $0x1BFF;
	s22 =	sshll.u32 s5, $0x1;
	s1 =	sadd.s32 s20, s19  }
0x14: {  	s6 =	simm.s32 $0x0;
	s21 =	sshll.u32 s4, $0x1;
	s4 =	sadd.s32 s22, s1  }
0x15: {  	[timem:s6], [sflag:s23] =	dma.local [hbm:s4], s21  }
0x16: {  	_ =	swait.ge [sflag:s23], s21  }
0x17: {  	s2 =	ssub.s32 $0x0, s21;
	[sflag:s23] =	ssyncset.done $0x0  }
0x18: {  	[sflag:s23] =	ssyncadd.s32 s2;
	_ =	sdelay $0x1  }
0x19: {  	s24 =	simm.s32 $0x1B8B  }
0x1a: {  	_ =	swait.ge [sflag:s24], $0x1  }
0x1b: {  	[sflag:s24] =	ssyncset.done $0x0  }
0x1c: {  	s26 =	simm.s32 $0x1B8E;
	s25 =	sld [smem:$0x3FFE];
	[sflag:s24] =	ssyncadd.s32 $0xFFFFFFFF  }
0x1d: {  	s27 =	simm.s32 $execute0_lowered;
	[smem:$0x3FD2] =	sst s26  }
0x1e: {  	s4 =	sshll.u32 s27, $0x1;
	_ =	strace $0x80000046;
	[dreg:$0x1] =	wrdreg $0xFFFFFFFF  }
0x1f: {  	s28 =	simm.s32 $_size_execute0_lowered;
	s1 =	sadd.s32 s1, s4;
	[dreg:$0x0] =	wrdreg $0x0  }
0x20: {  	s4 =	sshll.u32 s28, $0x1;
	[dreg:$0x2] =	wrdreg s1  }
0x21: {  	[dreg:$0x3] =	wrdreg s4  }
0x22: {  	[dreg:$0x4] =	wrdreg $0xC0  }
0x23: {  	_ =	task [dreg:s6], $0x5FFFF  }
0x24: {  	[dreg:$0x1] =	wrdreg $0xFFFFFFFF  }
0x25: {  	[dreg:$0x0] =	wrdreg $0x60  }
0x26: {  	[dreg:$0x2] =	wrdreg s25  }
0x27: {  	[dreg:$0x3] =	wrdreg $0x9  }
0x28: {  	_ =	task.clear_ibuf [dreg:s6], $0x4FFFF;
	_ =	strace $0x90000046  }
0x29: {  	s29 =	simm.s32 $0x9;
	_ =	strace $0x80000048  }
0x2a: {  	_ =	swait.ge [sflag:s29], $0x1  }
0x2b: {  	[sflag:s29] =	ssyncadd.s32 $0xFFFFFFFF  }
0x2c: {  	_ =	strace $0x90000048  }
0x2d: {  	_ =	sfence  }
0x2e: {  	s30 =	sld [smem:$0x0];
	_ =	sdelay $0x2  }
0x2f: {  	s31 =	sshll.u32 s3, $0xD;
	s3 =	sshrl.u32 s3, $0x2  }
0x30: {  	s2 =	sand.u32 $0x4000, s31;
	s1 =	sadd.s32 s3, s30  }
0x31: {  	s0 =	sor.u32 s2, s0;
	s1 =	sshll.u32 s1, $0x11  }
0x32: {  	s0 =	sor.u32 s1, s0  }
0x33: {  	s0 =	sadd.s32 $0x8F2B, s0  }
0x34: {  	[sflag:s0] =	ssyncadd.remote.s32 $0x1  }
0x35: {  	_ =	sfence.sel $0xFFFF  }
0x36: {  	[dreg:$0x0] =	wrdreg $0xFFFFFFFF;
	(pc) =	sbr.abs _section_cstart, $3  }
0x37: {  	[dreg:$0x1] =	wrdreg $0xFFFFFFFF  }
0x38: {  	_ =	task.clear_ibuf [dreg:s6], $0x2FFFF;
	_ =	strace $0x9FFFFFFF  }
0x39: {  	(tm) =	ssettm $0x7FFFFFFF  }
tec
execute0_lowered:
.L_overlay_start_1:
0x0: {  	(tag) =	ssettag $0x1  }
0x1: {  	s0 =	stileid.u32  }
0x2: {  	s1 =	srdreg.scid;
	s4 =	rddreg [dreg:$0x0]  }
0x3: {  	s7 =	simm.s32 $0x1;
	s8 =	simm.s32 $0x2;
	s15 =	simm.s32 $0x0  }
0x4: {  	s9 =	simm.s32 $0x800;
	s2 =	sshll.u32 s0, $0x2;
	s1 =	sshll.u32 s1, $0x6  }
0x5: {  	s10 =	simm.s32 $0xF8000;
	s11 =	simm.s32 $0x0;
	s1 =	sor.u32 s2, s1  }
0x6: {  	s16 =	simm.s32 $0x0;
	s14 =	simm.s32 $0x0;
	s2 =	sand.u32 $0x70, s1  }
0x7: {  	s3 =	sadd.s32 $0x1600, s4;
	s4 =	sadd.s32 $0x3E9200, s4;
	s6 =	ssub.s32 $0x1F00, s2  }
.Ltmp0:
0x8: {  	s1 =	rddreg [dreg:$0x1];
	s5 =	sand.u32 $0x70, s6;
	(pc) =	sbr.rel .LBB1_1-.Ltmp0, $4  }
0x9: {  	_ =	strace $0x80000047;
	s12 =	smov.u32 s2;
	p0 =	sne.s32 s5, $0x0  }
0xa: {  	s6 =	sshrl.u32 s6, $0x7;
	s5 =	simm.s32 $0x1;
	s7 =	simm.s32 @!p0 $0x0  }
0xb: {  	[sflag:s5] =	ssyncpa.u1 $0x0;
	s6 =	sadd.s32 s7, s6;
	s7 =	sand.u32 $0x3, s0  }
0xc: {  	[sflag:s8] =	ssyncpa.u1 $0x0;
	s8 =	sadd.s32 $0x1, s6;
	s13 =	smov.u32 s7  }
.LBB1_7:
0xd: {  	s17 =	sadd.s32 $0x80, s12  }
0xe: {  	s15 =	sadd.s32 $0x4, s13;
	s19 =	smov.u32 s13;
	p1 =	sgt.s32 s17, $0x1EFF  }
0xf: {  	s19 =	smov.u32 @p1 s15  }
0x10: {  	s17 =	smov.u32 @p1 s2;
	p1 =	sgt.s32 s19, $0x3  }
0x11: {  	s19 =	smov.u32 @p1 s7;
	p1 =	sne.s32 s14, s8  }
.Ltmp1:
0x12: {  	p0 =	slt.u32 s14, $0x2;
	(pc) =	sbr.rel @!p1 .LBB1_8-.Ltmp1, $4  }
0x13: {  	s18 =	simm.s32 @!p0 $0x2  }
0x14: {  	s16 =	smov.u32 s13;
	s11 =	sadd.s32 $0x4000, s11;
	_ =	swait.ge @!p0 [sflag:s18], $0x4000  }
0x15: {  	s15 =	smov.u32 s12;
	[sflag:s18] =	ssyncset.done @!p0 $0x0;
	s12 =	smov.u32 s17  }
0x16: {  	s14 =	sadd.s32 $0x1, s14;
	[sflag:s18] =	ssyncadd.s32 @!p0 $0xFFFFC000;
	s13 =	smov.u32 s19  }
.LBB1_1:
0x17: {  	p0 =	sge.u32 s14, s6  }
0x18: {  	s17 =	smul.u32 @!p0 $0xF8000, s13  }
0x19: {  	s31 =	sadd.s32 $0xFFFFFFFF, s14;
	s18 =	sxor.u32 @!p0 $0xFFFFFFFF, s14  }
0x1a: {  	s19 =	sshll.u32 @!p0 s12, $0x7;
	s18 =	sshll.u32 @!p0 s18, $0xE;
	s17 =	sadd.s32 @!p0 s3, s17  }
0x1b: {  	s18 =	sand.u32 @!p0 $0x4000, s18;
	s17 =	sadd.s32 @!p0 s19, s17;
	s19 =	simm.s32 @!p0 $0x0  }
0x1c: {  	[tilespmem:s18], [sflag:$0x1] =	stream.linear.gather @!p0 [hbm4b:s17+s19], $0x4000, $0x38;
	[tilespmem:$0x10000] =	vst v63  }
0x1d: {  	p0 =	sge.u32 s31, s6  }
.Ltmp2:
0x1e: {  	_ = 	snop;
	(pc) =	sbr.rel @p0 .LBB1_7-.Ltmp2, $1  }
0x1f: {  	_ =	sdelay $0x3  }
0x20: {  	s17 =	sand.u32 $0x4000, s11  }
0x21: {  	_ =	swait.ge [sflag:s5], $0x4000;
	s20 =	sshll.u32 s14, $0xE;
	s18 =	sor.u32 $0x8040, s17  }
0x22: {  	s19 =	sor.u32 $0x40, s17;
	[sflag:s5] =	ssyncset.done $0x0;
	s31 =	sand.u32 $0x4000, s20  }
0x23: {  	s20 =	simm.s32 $0x0;
	[sflag:s5] =	ssyncadd.s32 $0xFFFFC000;
	s17 =	sor.u32 $0x8000, s31  }
.LBB1_3:
0x24: {  	v0 =	vmov s19;
	_ =	sdelay $0x3  }
0x25: {  	s22 =	simm.s32 $0x0  }
0x26: {  	v6 =	vld.idx.msk [tilespmem:v0+s22+$0x30 ss:$0x1], $0xffff  }
0x27: {  	v7 =	vld.idx.msk [tilespmem:v0+s22+$0xFFFFFFC0 ss:$0x1], $0xffff  }
0x28: {  	v5 =	vld.idx.msk [tilespmem:v0+s22+$0xFFFFFFD0 ss:$0x1], $0xffff  }
0x29: {  	v4 =	vld.idx.msk [tilespmem:v0+s22+$0xFFFFFFE0 ss:$0x1], $0xffff  }
0x2a: {  	v3 =	vld.idx.msk [tilespmem:v0+s22+$0xFFFFFFF0 ss:$0x1], $0xffff  }
0x2b: {  	v1 =	vld.idx.msk [tilespmem:v0+s22+$0x0 ss:$0x1], $0xffff  }
0x2c: {  	v2 =	vld.idx.msk [tilespmem:v0+s22+$0x10 ss:$0x1], $0xffff;
	[tilespmem:s18+$0x30] =	vst v6  }
0x2d: {  	s21 =	simm.s32 $0x80;
	s23 =	simm.s32 $0x400;
	[tilespmem:s18+$0xFFFFFFC0] =	vst v7;
	v6 =	vld.idx.msk [tilespmem:v0+s22+$0x20 ss:$0x1], $0xffff;
	s22 =	smov.u32 s18  }
.LBB1_4:
0x2e: {  	p0 =	sne.s32 s23, $0xE00;
	v7 =	vld.idx.msk [tilespmem:v0+s21+$0x30 ss:$0x1], $0xffff;
	[tilespmem:s22+$0xFFFFFFD0] =	vst v5  }
0x2f: {  	v8 =	vld.idx.msk [tilespmem:v0+s21+$0xFFFFFFC0 ss:$0x1], $0xffff;
	[tilespmem:s22+$0xFFFFFFE0] =	vst v4  }
0x30: {  	v5 =	vld.idx.msk [tilespmem:v0+s21+$0xFFFFFFD0 ss:$0x1], $0xffff;
	[tilespmem:s22+$0xFFFFFFF0] =	vst v3  }
.Ltmp3:
0x31: {  	v4 =	vld.idx.msk [tilespmem:v0+s21+$0xFFFFFFE0 ss:$0x1], $0xffff;
	[tilespmem:s22+$0x0] =	vst v1;
	(pc) =	sbr.rel @p0 .LBB1_4-.Ltmp3, $4  }
0x32: {  	v3 =	vld.idx.msk [tilespmem:v0+s21+$0xFFFFFFF0 ss:$0x1], $0xffff;
	[tilespmem:s22+$0x10] =	vst v2  }
0x33: {  	v1 =	vld.idx.msk [tilespmem:v0+s21+$0x0 ss:$0x1], $0xffff;
	[tilespmem:s22+$0x20] =	vst v6;
	s22 =	sadd.s32 $0x800, s22  }
0x34: {  	v2 =	vld.idx.msk [tilespmem:v0+s21+$0x10 ss:$0x1], $0xffff;
	[tilespmem:s22+$0x30] =	vst v7  }
0x35: {  	[tilespmem:s22+$0xFFFFFFC0] =	vst v8;
	v6 =	vld.idx.msk [tilespmem:v0+s21+$0x20 ss:$0x1], $0xffff;
	s21 =	sshra.s32 s23, $0x2;
	s23 =	sadd.s32 $0x200, s23  }
0x36: {  	_ =	sdelay $0x2  }
0x37: {  	[tilespmem:s22+$0xFFFFFFD0] =	vst v5  }
0x38: {  	v56 =	vld.idx.msk [tilespmem:v0+s21+$0x30 ss:$0x1], $0xffff;
	[tilespmem:s22+$0xFFFFFFE0] =	vst v4  }
0x39: {  	v57 =	vld.idx.msk [tilespmem:v0+s21+$0xFFFFFFC0 ss:$0x1], $0xffff;
	[tilespmem:s22+$0xFFFFFFF0] =	vst v3  }
0x3a: {  	v58 =	vld.idx.msk [tilespmem:v0+s21+$0xFFFFFFD0 ss:$0x1], $0xffff;
	[tilespmem:s22+$0x0] =	vst v1  }
0x3b: {  	v59 =	vld.idx.msk [tilespmem:v0+s21+$0xFFFFFFE0 ss:$0x1], $0xffff;
	[tilespmem:s22+$0x10] =	vst v2  }
0x3c: {  	v60 =	vld.idx.msk [tilespmem:v0+s21+$0xFFFFFFF0 ss:$0x1], $0xffff;
	s31 =	sadd.s32 $0x800, s22;
	[tilespmem:s22+$0x20] =	vst v6  }
0x3d: {  	v61 =	vld.idx.msk [tilespmem:v0+s21+$0x0 ss:$0x1], $0xffff;
	[tilespmem:s31+$0x30] =	vst v56  }
0x3e: {  	v62 =	vld.idx.msk [tilespmem:v0+s21+$0x10 ss:$0x1], $0xffff;
	s20 =	sadd.s32 $0x1, s20;
	[tilespmem:s31+$0xFFFFFFC0] =	vst v57  }
0x3f: {  	v63 =	vld.idx.msk [tilespmem:v0+s21+$0x20 ss:$0x1], $0xffff;
	p0 =	sne.s32 s20, $0x10;
	[tilespmem:s31+$0xFFFFFFD0] =	vst v58  }
.Ltmp4:
0x40: {  	[tilespmem:s31+$0xFFFFFFE0] =	vst v59;
	(pc) =	sbr.rel @p0 .LBB1_3-.Ltmp4, $4  }
0x41: {  	[tilespmem:s31+$0xFFFFFFF0] =	vst v60  }
0x42: {  	[tilespmem:s31+$0x0] =	vst v61  }
0x43: {  	[tilespmem:s31+$0x10] =	vst v62  }
0x44: {  	s18 =	sadd.s32 $0x80, s18;
	s19 =	sadd.s32 $0x400, s19;
	[tilespmem:s31+$0x20] =	vst v63  }
0x45: {  	s15 =	sand.u32 $0x1FFFFFF, s15  }
0x46: {  	s18 =	smulhi.u32 $0x1084211, s15;
	_ =	sdelay $0x1  }
0x47: {  	s16 =	smul.u32 $0xF8000, s16;
	s18 =	sshrl.u32 s18, $0x5  }
0x48: {  	s18 =	smul.u32 $0x1F00, s18  }
.Ltmp5:
0x49: {  	_ = 	snop;
	(pc) =	sbr.rel .LBB1_7-.Ltmp5, $4  }
0x4a: {  	s15 =	ssub.s32 s15, s18  }
0x4b: {  	s16 =	sadd.s32 s4, s16;
	s15 =	sshll.u32 s15, $0x4  }
0x4c: {  	s15 =	sadd.s32 s15, s16  }
0x4d: {  	[hbm4b:s15+s9] =	stream.strided.scatter [tilespmem:s17], [sflag:$0x2], $0x4000, s10, s9, $0x38;
	[tilespmem:$0x10000] =	vst v63  }
.LBB1_8:
0x4e: {  	_ =	sfence.sel $0x180000  }
0x4f: {  	s2 =	simm.s32 $0x1;
	[bflag:$0x0] =	sbarrier.arrive $0xFFFF  }
0x50: {  	s31 =	simm.s32 $0x2;
	[sflag:s2] =	ssyncpa.u1 $0x1  }
0x51: {  	[sflag:s31] =	ssyncpa.u1 $0x1  }
0x52: {  	p0 =	sne.s32 s0, $0x0;
	_ =	strace $0x90000047  }
0x53: {  	s0 =	sadd.s32 @!p0 $0x100000, s1;
	[bflag:$0x2] =	sbarrier.arrive $0xFFFF  }
0x54: {  	[sflag:s0] =	ssyncadd.tile.s32 @!p0 $0x1;
	_ =	shalt  }
.Lfunc_end1:
_tile_overlayer_lowered:
.L_overlay_start_2:
0x55: {  	(tag) =	ssettag $0x2  }
0x56: {  	s0 =	rddreg [dreg:$0x0];
	s2 =	stileid.u32  }
0x57: {  	s1 =	rddreg [dreg:$0x1];
	p0 =	sne.s32 s2, $0x0  }
0x58: {  	s3 =	rddreg [dreg:$0x2];
	[bflag:$0x3] =	sbarrier.arrive $0xFFFF;
	s2 =	simm.s32 @!p0 $0x1C01  }
0x59: {  	[timem:s3], [sflag:s2] =	dma.local @!p0 [hbm:s0], s1  }
0x5a: {  	s0 =	simm.s32 @!p0 $0x1  }
0x5b: {  	_ =	swait.ge @!p0 [sflag:s0], s1  }
0x5c: {  	s1 =	ssub.s32 @!p0 $0x0, s1;
	[sflag:s0] =	ssyncset.done @!p0 $0x0  }
0x5d: {  	[sflag:s0] =	ssyncadd.s32 @!p0 s1  }
0x5e: {  	[bflag:$0x3] =	sbarrier.arrive $0xFFFF  }
0x5f: {  	_ =	shalt  }

</sc_bundles>
